<compile_context>
chip_gen: v7x
topology: tpu7x:2x2x1
jax: 0.10.2.dev20260603
libtpu: 0.0.44.dev20260713+nightly
codegen_flags: <defaults>
</compile_context>

<pallas_src>
import functools

import jax
import jax.numpy as jnp
from jax import lax
from jax.experimental import pallas as pl
from jax.experimental.pallas import tpu as pltpu
from jax.experimental.pallas import tpu_sc as plsc

N_NODES = 10000
N_EDGES = 320000
D_FEAT = 128

_NC = 2
_NS = 16
_NW = _NC * _NS
_B_PER_W = N_EDGES // _NW
_CHUNK = 32
_N_FULL = _B_PER_W // _CHUNK
_REM = _B_PER_W - _N_FULL * _CHUNK
_STAGE = 624
_NBUF = 8
_AHEAD = 4
_DRAIN = _NBUF - _AHEAD
_REV = _N_FULL // _NBUF
assert _N_FULL % _NBUF == 0 and _N_FULL * _CHUNK + _REM == _B_PER_W


def _gather_body(idx_hbm, x_hbm, out_hbm, idx_v, *rest):
    rows = rest[:_NBUF]
    x_sp = rest[_NBUF]
    gsem = rest[_NBUF + 1:2 * _NBUF + 1]
    osem = rest[2 * _NBUF + 1:]
    sid = lax.axis_index("s")
    wid = sid * _NC + lax.axis_index("c")
    base = wid * _B_PER_W

    pltpu.sync_copy(x_hbm.at[pl.ds(sid * _STAGE, _STAGE), :],
                    x_sp.at[pl.ds(sid * _STAGE, _STAGE), :])

    @pl.when(sid == _NS - 1)
    def _():
        pltpu.sync_copy(x_hbm.at[pl.ds(_NS * _STAGE, N_NODES - _NS * _STAGE), :],
                        x_sp.at[pl.ds(_NS * _STAGE, N_NODES - _NS * _STAGE), :])

    pltpu.sync_copy(idx_hbm.at[pl.ds(base, _B_PER_W)], idx_v)
    plsc.subcore_barrier()

    def start_gather(j, b):
        pltpu.async_copy(
            x_sp.at[idx_v.at[pl.ds(j * _CHUNK, _CHUNK)]], rows[b], gsem[b]
        )

    def wait_gather(j, b):
        pltpu.make_async_copy(
            x_sp.at[idx_v.at[pl.ds(j * _CHUNK, _CHUNK)]], rows[b], gsem[b]
        ).wait()

    def start_out(j, b):
        pltpu.async_copy(rows[b], out_hbm.at[pl.ds(base + j * _CHUNK, _CHUNK), :],
                         osem[b])

    def wait_out(j, b):
        pltpu.make_async_copy(rows[b], out_hbm.at[pl.ds(base + j * _CHUNK, _CHUNK), :],
                              osem[b]).wait()

    for j in range(_AHEAD):
        start_gather(j, j)
    for j in range(_NBUF):
        wait_gather(j, j)
        start_out(j, j)
        if j < _DRAIN:
            start_gather(j + _AHEAD, (j + _AHEAD) % _NBUF)
        else:
            wait_out(j - _DRAIN, (j + _AHEAD) % _NBUF)
            start_gather(j + _AHEAD, (j + _AHEAD) % _NBUF)

    def body(h, _):
        for i in range(_NBUF):
            j = _NBUF * h + i
            wait_gather(j, i)
            start_out(j, i)
            wait_out(j - _DRAIN, (i + _AHEAD) % _NBUF)
            start_gather(j + _AHEAD, (i + _AHEAD) % _NBUF)
        return 0

    lax.fori_loop(1, _REV - 1, body, 0)

    jl = (_REV - 1) * _NBUF
    for j in range(jl, _N_FULL):
        i = j % _NBUF
        wait_gather(j, i)
        start_out(j, i)
        if j + _AHEAD < _N_FULL:
            wait_out(j - _DRAIN, (i + _AHEAD) % _NBUF)
            start_gather(j + _AHEAD, (i + _AHEAD) % _NBUF)

    wait_out(jl, 0)
    row0 = base + _N_FULL * _CHUNK
    pltpu.async_copy(
        x_sp.at[idx_v.at[pl.ds(_N_FULL * _CHUNK, _REM)]],
        rows[0].at[pl.ds(0, _REM)],
        gsem[0],
    ).wait()
    pltpu.sync_copy(rows[0].at[pl.ds(0, _REM)], out_hbm.at[pl.ds(row0, _REM), :])
    for j in range(jl + 1, _N_FULL):
        wait_out(j, j % _NBUF)


_mesh = plsc.VectorSubcoreMesh(core_axis_name="c", subcore_axis_name="s")

_gather = functools.partial(
    pl.kernel,
    mesh=_mesh,
    out_type=jax.ShapeDtypeStruct((N_EDGES, D_FEAT), jnp.float32),
    scratch_types=[
        pltpu.VMEM((_B_PER_W,), jnp.int32),
    ] + [pltpu.VMEM((_CHUNK, D_FEAT), jnp.float32)] * _NBUF
      + [pltpu.VMEM_SHARED((N_NODES, D_FEAT), jnp.float32)]
      + [pltpu.SemaphoreType.DMA] * (2 * _NBUF),
)(_gather_body)


def kernel(x, edge_index):
    idx_flat = jnp.reshape(edge_index, (2 * N_EDGES,))
    if idx_flat.dtype != jnp.int32:
        idx_flat = idx_flat.astype(jnp.int32)
    return _gather(idx_flat, x)

# --- scband reference (transcript-rebuilt; emitter-appended) ---
"""Pipeline reference for scband-gather-nodes-ingoing-58256936403577 (READ-ONLY COPY).

The authoritative reference and input builder live on the scoring server;
editing this copy changes nothing except your own understanding.
"""

import jax, jax.numpy as jnp
import numpy as np

N_NODES = 10000
N_EDGES = 320000
D_FEAT = 128
SELECTION_INDEX = 0
AXIS_INDICES = 0


def setup_inputs(seed: int = 0) -> dict:
    key = jax.random.key(seed)
    k1, k2 = jax.random.split(key)
    x = jax.random.normal(k1, (N_NODES, D_FEAT), dtype=jnp.float32)
    edge_index = jax.random.randint(k2, (2, N_EDGES), 0, N_NODES, dtype=jnp.int64 if jax.config.jax_enable_x64 else jnp.int32)
    return {"x": x, "edge_index": edge_index}


def reference(x, edge_index):
    # GatherNodesIngoing: take receiving node index row, then gather node features.
    indices_take = jnp.take(edge_index, SELECTION_INDEX, axis=AXIS_INDICES)
    return jnp.take(x, indices_take, axis=0)

if __name__ == "__main__":
    import jax
    _d = setup_inputs()
    print(jax.jit(kernel)(*tuple(_d.values())))

</pallas_src>

<mosaic_0001>
#map = affine_map<(d0, d1) -> (0)>
#map1 = affine_map<(d0, d1) -> (0, 0)>
module attributes {stable_mosaic.version = 14 : i64} {
  func.func @_gather_body(%arg0: i32, %arg1: i32, %arg2: memref<640000xi32, #tpu.memory_space<hbm>>, %arg3: memref<10000x128xf32, #tpu.memory_space<hbm>>, %arg4: memref<320000x128xf32, #tpu.memory_space<hbm>>, %arg5: memref<10000xi32, #tpu.memory_space<vmem>>, %arg6: memref<32x128xf32, #tpu.memory_space<vmem>>, %arg7: memref<32x128xf32, #tpu.memory_space<vmem>>, %arg8: memref<32x128xf32, #tpu.memory_space<vmem>>, %arg9: memref<32x128xf32, #tpu.memory_space<vmem>>, %arg10: memref<32x128xf32, #tpu.memory_space<vmem>>, %arg11: memref<32x128xf32, #tpu.memory_space<vmem>>, %arg12: memref<32x128xf32, #tpu.memory_space<vmem>>, %arg13: memref<32x128xf32, #tpu.memory_space<vmem>>, %arg14: memref<10000x128xf32, #tpu.memory_space<vmem_shared>>, %arg15: memref<!tpu.dma_semaphore, #tpu.memory_space<semaphore_mem>>, %arg16: memref<!tpu.dma_semaphore, #tpu.memory_space<semaphore_mem>>, %arg17: memref<!tpu.dma_semaphore, #tpu.memory_space<semaphore_mem>>, %arg18: memref<!tpu.dma_semaphore, #tpu.memory_space<semaphore_mem>>, %arg19: memref<!tpu.dma_semaphore, #tpu.memory_space<semaphore_mem>>, %arg20: memref<!tpu.dma_semaphore, #tpu.memory_space<semaphore_mem>>, %arg21: memref<!tpu.dma_semaphore, #tpu.memory_space<semaphore_mem>>, %arg22: memref<!tpu.dma_semaphore, #tpu.memory_space<semaphore_mem>>, %arg23: memref<!tpu.dma_semaphore, #tpu.memory_space<semaphore_mem>>, %arg24: memref<!tpu.dma_semaphore, #tpu.memory_space<semaphore_mem>>, %arg25: memref<!tpu.dma_semaphore, #tpu.memory_space<semaphore_mem>>, %arg26: memref<!tpu.dma_semaphore, #tpu.memory_space<semaphore_mem>>, %arg27: memref<!tpu.dma_semaphore, #tpu.memory_space<semaphore_mem>>, %arg28: memref<!tpu.dma_semaphore, #tpu.memory_space<semaphore_mem>>, %arg29: memref<!tpu.dma_semaphore, #tpu.memory_space<semaphore_mem>>, %arg30: memref<!tpu.dma_semaphore, #tpu.memory_space<semaphore_mem>>) attributes {dimension_semantics = [#tpu.dimension_semantics<core_parallel>, #tpu.dimension_semantics<subcore_parallel>], iteration_bounds = array<i64: 2, 16>, scalar_prefetch = 0 : i64, scratch_operands = 26 : i64, tpu.core_type = #tpu.core_type<sc_vector_subcore>, window_params = [{transform_indices = #map}, {transform_indices = #map1}, {transform_indices = #map1}]} {
    %mul3A = arith.constant 2 : i32
    %mul3A_0 = arith.muli %arg1, %mul3A : i32
    %add3A = arith.addi %mul3A_0, %arg0 : i32
    %mul3A_1 = arith.constant 10000 : i32
    %mul3A_2 = arith.muli %add3A, %mul3A_1 : i32
    %mul3A_3 = arith.constant 624 : i32
    %mul3A_4 = arith.muli %arg1, %mul3A_3 : i32
    %mul3A_5 = arith.constant 624 : i32
    %mul3A_6 = arith.muli %arg1, %mul3A_5 : i32
    "tpu.region"() ({
      %run_scoped3A = tpu.sem_alloc : memref<!tpu.dma_semaphore, #tpu.memory_space<semaphore_mem>>
      %dma_start3A_383 = arith.constant 0 : i32
      %dma_start3A_384 = tpu.memref_slice %arg14[%mul3A_6, %dma_start3A_383] : memref<10000x128xf32, #tpu.memory_space<vmem_shared>> -> memref<624x128xf32, #tpu.memory_space<vmem_shared>>
      %dma_start3A_385 = arith.constant 0 : i32
      %dma_start3A_386 = tpu.memref_slice %arg3[%mul3A_4, %dma_start3A_385] : memref<10000x128xf32, #tpu.memory_space<hbm>> -> memref<624x128xf32, #tpu.memory_space<hbm>>
      tpu.enqueue_dma source(%dma_start3A_386 : memref<624x128xf32, #tpu.memory_space<hbm>>) target(%dma_start3A_384 : memref<624x128xf32, #tpu.memory_space<vmem_shared>>) target_semaphore(%run_scoped3A : memref<!tpu.dma_semaphore, #tpu.memory_space<semaphore_mem>>)
      %dma_wait3A_387 = arith.constant 0 : i32
      %dma_wait3A_388 = tpu.memref_slice %arg14[%mul3A_6, %dma_wait3A_387] : memref<10000x128xf32, #tpu.memory_space<vmem_shared>> -> memref<624x128xf32, #tpu.memory_space<vmem_shared>>
      %dma_wait3A_389 = arith.constant 0 : i32
      %dma_wait3A_390 = tpu.memref_slice %arg3[%mul3A_4, %dma_wait3A_389] : memref<10000x128xf32, #tpu.memory_space<hbm>> -> memref<624x128xf32, #tpu.memory_space<hbm>>
      tpu.wait_dma2 semaphore(%run_scoped3A : memref<!tpu.dma_semaphore, #tpu.memory_space<semaphore_mem>>) src(%dma_wait3A_390 : memref<624x128xf32, #tpu.memory_space<hbm>>) dst(%dma_wait3A_388 : memref<624x128xf32, #tpu.memory_space<vmem_shared>>)
      tpu.yield
    }) : () -> ()
    %eq3A = arith.constant 15 : i32
    %eq3A_7 = arith.cmpi eq, %arg1, %eq3A : i32
    %convert_element_type3A = arith.extui %eq3A_7 : i1 to i32
    %cond3A = arith.constant 0 : i32
    %cond3A_8 = arith.cmpi ne, %convert_element_type3A, %cond3A : i32
    scf.if %cond3A_8 {
      "tpu.region"() ({
        %run_scoped3A = tpu.sem_alloc : memref<!tpu.dma_semaphore, #tpu.memory_space<semaphore_mem>>
        %dma_start3A_383 = arith.constant 9984 : i32
        %dma_start3A_384 = arith.constant 0 : i32
        %dma_start3A_385 = tpu.memref_slice %arg14[%dma_start3A_383, %dma_start3A_384] : memref<10000x128xf32, #tpu.memory_space<vmem_shared>> -> memref<16x128xf32, #tpu.memory_space<vmem_shared>>
        %dma_start3A_386 = arith.constant 9984 : i32
        %dma_start3A_387 = arith.constant 0 : i32
        %dma_start3A_388 = tpu.memref_slice %arg3[%dma_start3A_386, %dma_start3A_387] : memref<10000x128xf32, #tpu.memory_space<hbm>> -> memref<16x128xf32, #tpu.memory_space<hbm>>
        tpu.enqueue_dma source(%dma_start3A_388 : memref<16x128xf32, #tpu.memory_space<hbm>>) target(%dma_start3A_385 : memref<16x128xf32, #tpu.memory_space<vmem_shared>>) target_semaphore(%run_scoped3A : memref<!tpu.dma_semaphore, #tpu.memory_space<semaphore_mem>>)
        %dma_wait3A_389 = arith.constant 9984 : i32
        %dma_wait3A_390 = arith.constant 0 : i32
        %dma_wait3A_391 = tpu.memref_slice %arg14[%dma_wait3A_389, %dma_wait3A_390] : memref<10000x128xf32, #tpu.memory_space<vmem_shared>> -> memref<16x128xf32, #tpu.memory_space<vmem_shared>>
        %dma_wait3A_392 = arith.constant 9984 : i32
        %dma_wait3A_393 = arith.constant 0 : i32
        %dma_wait3A_394 = tpu.memref_slice %arg3[%dma_wait3A_392, %dma_wait3A_393] : memref<10000x128xf32, #tpu.memory_space<hbm>> -> memref<16x128xf32, #tpu.memory_space<hbm>>
        tpu.wait_dma2 semaphore(%run_scoped3A : memref<!tpu.dma_semaphore, #tpu.memory_space<semaphore_mem>>) src(%dma_wait3A_394 : memref<16x128xf32, #tpu.memory_space<hbm>>) dst(%dma_wait3A_391 : memref<16x128xf32, #tpu.memory_space<vmem_shared>>)
        tpu.yield
      }) : () -> ()
    } else {
    }
    "tpu.region"() ({
      %run_scoped3A = tpu.sem_alloc : memref<!tpu.dma_semaphore, #tpu.memory_space<semaphore_mem>>
      %dma_start3A_383 = tpu.memref_slice %arg2[%mul3A_2] : memref<640000xi32, #tpu.memory_space<hbm>> -> memref<10000xi32, #tpu.memory_space<hbm>>
      %dma_start3A_384 = tpu.memref_slice %arg2[%mul3A_2] : memref<640000xi32, #tpu.memory_space<hbm>> -> memref<10000xi32, #tpu.memory_space<hbm>>
      tpu.enqueue_dma source(%dma_start3A_384 : memref<10000xi32, #tpu.memory_space<hbm>>) target(%arg5 : memref<10000xi32, #tpu.memory_space<vmem>>) target_semaphore(%run_scoped3A : memref<!tpu.dma_semaphore, #tpu.memory_space<semaphore_mem>>)
      %dma_wait3A_385 = tpu.memref_slice %arg2[%mul3A_2] : memref<640000xi32, #tpu.memory_space<hbm>> -> memref<10000xi32, #tpu.memory_space<hbm>>
      %dma_wait3A_386 = tpu.memref_slice %arg2[%mul3A_2] : memref<640000xi32, #tpu.memory_space<hbm>> -> memref<10000xi32, #tpu.memory_space<hbm>>
      tpu.wait_dma2 semaphore(%run_scoped3A : memref<!tpu.dma_semaphore, #tpu.memory_space<semaphore_mem>>) src(%dma_wait3A_386 : memref<10000xi32, #tpu.memory_space<hbm>>) dst(%arg5 : memref<10000xi32, #tpu.memory_space<vmem>>)
      tpu.yield
    }) : () -> ()
    %barrier3A = arith.constant 0 : index
    tpu.barrier barrier_id(%barrier3A)
    %dma_start3A = arith.constant 0 : i32
    %dma_start3A_9 = tpu.memref_slice %arg5[%dma_start3A] : memref<10000xi32, #tpu.memory_space<vmem>> -> memref<32xi32, #tpu.memory_space<vmem>>
    %dma_start3A_10 = arith.constant 0 : i32
    %dma_start3A_11 = arith.constant 0 : i32
    %dma_start3A_12 = tpu.memref_slice %arg14[%dma_start3A_10, %dma_start3A_11] : memref<10000x128xf32, #tpu.memory_space<vmem_shared>> -> memref<10000x128xf32, #tpu.memory_space<vmem_shared>>
    tpu.enqueue_indirect_dma source(%dma_start3A_12 : memref<10000x128xf32, #tpu.memory_space<vmem_shared>>) target(%arg6 : memref<32x128xf32, #tpu.memory_space<vmem>>) offsets(%dma_start3A_9 : memref<32xi32, #tpu.memory_space<vmem>>) semaphore(%arg15 : memref<!tpu.dma_semaphore, #tpu.memory_space<semaphore_mem>>)
    %dma_start3A_13 = arith.constant 32 : i32
    %dma_start3A_14 = tpu.memref_slice %arg5[%dma_start3A_13] : memref<10000xi32, #tpu.memory_space<vmem>> -> memref<32xi32, #tpu.memory_space<vmem>>
    %dma_start3A_15 = arith.constant 0 : i32
    %dma_start3A_16 = arith.constant 0 : i32
    %dma_start3A_17 = tpu.memref_slice %arg14[%dma_start3A_15, %dma_start3A_16] : memref<10000x128xf32, #tpu.memory_space<vmem_shared>> -> memref<10000x128xf32, #tpu.memory_space<vmem_shared>>
    tpu.enqueue_indirect_dma source(%dma_start3A_17 : memref<10000x128xf32, #tpu.memory_space<vmem_shared>>) target(%arg7 : memref<32x128xf32, #tpu.memory_space<vmem>>) offsets(%dma_start3A_14 : memref<32xi32, #tpu.memory_space<vmem>>) semaphore(%arg16 : memref<!tpu.dma_semaphore, #tpu.memory_space<semaphore_mem>>)
    %dma_start3A_18 = arith.constant 64 : i32
    %dma_start3A_19 = tpu.memref_slice %arg5[%dma_start3A_18] : memref<10000xi32, #tpu.memory_space<vmem>> -> memref<32xi32, #tpu.memory_space<vmem>>
    %dma_start3A_20 = arith.constant 0 : i32
    %dma_start3A_21 = arith.constant 0 : i32
    %dma_start3A_22 = tpu.memref_slice %arg14[%dma_start3A_20, %dma_start3A_21] : memref<10000x128xf32, #tpu.memory_space<vmem_shared>> -> memref<10000x128xf32, #tpu.memory_space<vmem_shared>>
    tpu.enqueue_indirect_dma source(%dma_start3A_22 : memref<10000x128xf32, #tpu.memory_space<vmem_shared>>) target(%arg8 : memref<32x128xf32, #tpu.memory_space<vmem>>) offsets(%dma_start3A_19 : memref<32xi32, #tpu.memory_space<vmem>>) semaphore(%arg17 : memref<!tpu.dma_semaphore, #tpu.memory_space<semaphore_mem>>)
    %dma_start3A_23 = arith.constant 96 : i32
    %dma_start3A_24 = tpu.memref_slice %arg5[%dma_start3A_23] : memref<10000xi32, #tpu.memory_space<vmem>> -> memref<32xi32, #tpu.memory_space<vmem>>
    %dma_start3A_25 = arith.constant 0 : i32
    %dma_start3A_26 = arith.constant 0 : i32
    %dma_start3A_27 = tpu.memref_slice %arg14[%dma_start3A_25, %dma_start3A_26] : memref<10000x128xf32, #tpu.memory_space<vmem_shared>> -> memref<10000x128xf32, #tpu.memory_space<vmem_shared>>
    tpu.enqueue_indirect_dma source(%dma_start3A_27 : memref<10000x128xf32, #tpu.memory_space<vmem_shared>>) target(%arg9 : memref<32x128xf32, #tpu.memory_space<vmem>>) offsets(%dma_start3A_24 : memref<32xi32, #tpu.memory_space<vmem>>) semaphore(%arg18 : memref<!tpu.dma_semaphore, #tpu.memory_space<semaphore_mem>>)
    %dma_wait3A = arith.constant 0 : i32
    %dma_wait3A_28 = tpu.memref_slice %arg5[%dma_wait3A] : memref<10000xi32, #tpu.memory_space<vmem>> -> memref<32xi32, #tpu.memory_space<vmem>>
    %dma_wait3A_29 = arith.constant 0 : i32
    %dma_wait3A_30 = arith.constant 0 : i32
    %dma_wait3A_31 = tpu.memref_slice %arg14[%dma_wait3A_29, %dma_wait3A_30] : memref<10000x128xf32, #tpu.memory_space<vmem_shared>> -> memref<10000x128xf32, #tpu.memory_space<vmem_shared>>
    tpu.wait_indirect_dma semaphore(%arg15 : memref<!tpu.dma_semaphore, #tpu.memory_space<semaphore_mem>>) src(%dma_wait3A_31 : memref<10000x128xf32, #tpu.memory_space<vmem_shared>>) dst(%arg6 : memref<32x128xf32, #tpu.memory_space<vmem>>)
    %add3A_32 = arith.constant 0 : i32
    %add3A_33 = arith.addi %mul3A_2, %add3A_32 : i32
    %dma_start3A_34 = arith.constant 0 : i32
    %dma_start3A_35 = tpu.memref_slice %arg4[%add3A_33, %dma_start3A_34] : memref<320000x128xf32, #tpu.memory_space<hbm>> -> memref<32x128xf32, #tpu.memory_space<hbm>>
    %dma_start3A_36 = arith.constant 0 : i32
    %dma_start3A_37 = tpu.memref_slice %arg4[%add3A_33, %dma_start3A_36] : memref<320000x128xf32, #tpu.memory_space<hbm>> -> memref<32x128xf32, #tpu.memory_space<hbm>>
    tpu.enqueue_dma source(%arg6 : memref<32x128xf32, #tpu.memory_space<vmem>>) target(%dma_start3A_37 : memref<32x128xf32, #tpu.memory_space<hbm>>) target_semaphore(%arg23 : memref<!tpu.dma_semaphore, #tpu.memory_space<semaphore_mem>>)
    %dma_start3A_38 = arith.constant 128 : i32
    %dma_start3A_39 = tpu.memref_slice %arg5[%dma_start3A_38] : memref<10000xi32, #tpu.memory_space<vmem>> -> memref<32xi32, #tpu.memory_space<vmem>>
    %dma_start3A_40 = arith.constant 0 : i32
    %dma_start3A_41 = arith.constant 0 : i32
    %dma_start3A_42 = tpu.memref_slice %arg14[%dma_start3A_40, %dma_start3A_41] : memref<10000x128xf32, #tpu.memory_space<vmem_shared>> -> memref<10000x128xf32, #tpu.memory_space<vmem_shared>>
    tpu.enqueue_indirect_dma source(%dma_start3A_42 : memref<10000x128xf32, #tpu.memory_space<vmem_shared>>) target(%arg10 : memref<32x128xf32, #tpu.memory_space<vmem>>) offsets(%dma_start3A_39 : memref<32xi32, #tpu.memory_space<vmem>>) semaphore(%arg19 : memref<!tpu.dma_semaphore, #tpu.memory_space<semaphore_mem>>)
    %dma_wait3A_43 = arith.constant 32 : i32
    %dma_wait3A_44 = tpu.memref_slice %arg5[%dma_wait3A_43] : memref<10000xi32, #tpu.memory_space<vmem>> -> memref<32xi32, #tpu.memory_space<vmem>>
    %dma_wait3A_45 = arith.constant 0 : i32
    %dma_wait3A_46 = arith.constant 0 : i32
    %dma_wait3A_47 = tpu.memref_slice %arg14[%dma_wait3A_45, %dma_wait3A_46] : memref<10000x128xf32, #tpu.memory_space<vmem_shared>> -> memref<10000x128xf32, #tpu.memory_space<vmem_shared>>
    tpu.wait_indirect_dma semaphore(%arg16 : memref<!tpu.dma_semaphore, #tpu.memory_space<semaphore_mem>>) src(%dma_wait3A_47 : memref<10000x128xf32, #tpu.memory_space<vmem_shared>>) dst(%arg7 : memref<32x128xf32, #tpu.memory_space<vmem>>)
    %add3A_48 = arith.constant 32 : i32
    %add3A_49 = arith.addi %mul3A_2, %add3A_48 : i32
    %dma_start3A_50 = arith.constant 0 : i32
    %dma_start3A_51 = tpu.memref_slice %arg4[%add3A_49, %dma_start3A_50] : memref<320000x128xf32, #tpu.memory_space<hbm>> -> memref<32x128xf32, #tpu.memory_space<hbm>>
    %dma_start3A_52 = arith.constant 0 : i32
    %dma_start3A_53 = tpu.memref_slice %arg4[%add3A_49, %dma_start3A_52] : memref<320000x128xf32, #tpu.memory_space<hbm>> -> memref<32x128xf32, #tpu.memory_space<hbm>>
    tpu.enqueue_dma source(%arg7 : memref<32x128xf32, #tpu.memory_space<vmem>>) target(%dma_start3A_53 : memref<32x128xf32, #tpu.memory_space<hbm>>) target_semaphore(%arg24 : memref<!tpu.dma_semaphore, #tpu.memory_space<semaphore_mem>>)
    %dma_start3A_54 = arith.constant 160 : i32
    %dma_start3A_55 = tpu.memref_slice %arg5[%dma_start3A_54] : memref<10000xi32, #tpu.memory_space<vmem>> -> memref<32xi32, #tpu.memory_space<vmem>>
    %dma_start3A_56 = arith.constant 0 : i32
    %dma_start3A_57 = arith.constant 0 : i32
    %dma_start3A_58 = tpu.memref_slice %arg14[%dma_start3A_56, %dma_start3A_57] : memref<10000x128xf32, #tpu.memory_space<vmem_shared>> -> memref<10000x128xf32, #tpu.memory_space<vmem_shared>>
    tpu.enqueue_indirect_dma source(%dma_start3A_58 : memref<10000x128xf32, #tpu.memory_space<vmem_shared>>) target(%arg11 : memref<32x128xf32, #tpu.memory_space<vmem>>) offsets(%dma_start3A_55 : memref<32xi32, #tpu.memory_space<vmem>>) semaphore(%arg20 : memref<!tpu.dma_semaphore, #tpu.memory_space<semaphore_mem>>)
    %dma_wait3A_59 = arith.constant 64 : i32
    %dma_wait3A_60 = tpu.memref_slice %arg5[%dma_wait3A_59] : memref<10000xi32, #tpu.memory_space<vmem>> -> memref<32xi32, #tpu.memory_space<vmem>>
    %dma_wait3A_61 = arith.constant 0 : i32
    %dma_wait3A_62 = arith.constant 0 : i32
    %dma_wait3A_63 = tpu.memref_slice %arg14[%dma_wait3A_61, %dma_wait3A_62] : memref<10000x128xf32, #tpu.memory_space<vmem_shared>> -> memref<10000x128xf32, #tpu.memory_space<vmem_shared>>
    tpu.wait_indirect_dma semaphore(%arg17 : memref<!tpu.dma_semaphore, #tpu.memory_space<semaphore_mem>>) src(%dma_wait3A_63 : memref<10000x128xf32, #tpu.memory_space<vmem_shared>>) dst(%arg8 : memref<32x128xf32, #tpu.memory_space<vmem>>)
    %add3A_64 = arith.constant 64 : i32
    %add3A_65 = arith.addi %mul3A_2, %add3A_64 : i32
    %dma_start3A_66 = arith.constant 0 : i32
    %dma_start3A_67 = tpu.memref_slice %arg4[%add3A_65, %dma_start3A_66] : memref<320000x128xf32, #tpu.memory_space<hbm>> -> memref<32x128xf32, #tpu.memory_space<hbm>>
    %dma_start3A_68 = arith.constant 0 : i32
    %dma_start3A_69 = tpu.memref_slice %arg4[%add3A_65, %dma_start3A_68] : memref<320000x128xf32, #tpu.memory_space<hbm>> -> memref<32x128xf32, #tpu.memory_space<hbm>>
    tpu.enqueue_dma source(%arg8 : memref<32x128xf32, #tpu.memory_space<vmem>>) target(%dma_start3A_69 : memref<32x128xf32, #tpu.memory_space<hbm>>) target_semaphore(%arg25 : memref<!tpu.dma_semaphore, #tpu.memory_space<semaphore_mem>>)
    %dma_start3A_70 = arith.constant 192 : i32
    %dma_start3A_71 = tpu.memref_slice %arg5[%dma_start3A_70] : memref<10000xi32, #tpu.memory_space<vmem>> -> memref<32xi32, #tpu.memory_space<vmem>>
    %dma_start3A_72 = arith.constant 0 : i32
    %dma_start3A_73 = arith.constant 0 : i32
    %dma_start3A_74 = tpu.memref_slice %arg14[%dma_start3A_72, %dma_start3A_73] : memref<10000x128xf32, #tpu.memory_space<vmem_shared>> -> memref<10000x128xf32, #tpu.memory_space<vmem_shared>>
    tpu.enqueue_indirect_dma source(%dma_start3A_74 : memref<10000x128xf32, #tpu.memory_space<vmem_shared>>) target(%arg12 : memref<32x128xf32, #tpu.memory_space<vmem>>) offsets(%dma_start3A_71 : memref<32xi32, #tpu.memory_space<vmem>>) semaphore(%arg21 : memref<!tpu.dma_semaphore, #tpu.memory_space<semaphore_mem>>)
    %dma_wait3A_75 = arith.constant 96 : i32
    %dma_wait3A_76 = tpu.memref_slice %arg5[%dma_wait3A_75] : memref<10000xi32, #tpu.memory_space<vmem>> -> memref<32xi32, #tpu.memory_space<vmem>>
    %dma_wait3A_77 = arith.constant 0 : i32
    %dma_wait3A_78 = arith.constant 0 : i32
    %dma_wait3A_79 = tpu.memref_slice %arg14[%dma_wait3A_77, %dma_wait3A_78] : memref<10000x128xf32, #tpu.memory_space<vmem_shared>> -> memref<10000x128xf32, #tpu.memory_space<vmem_shared>>
    tpu.wait_indirect_dma semaphore(%arg18 : memref<!tpu.dma_semaphore, #tpu.memory_space<semaphore_mem>>) src(%dma_wait3A_79 : memref<10000x128xf32, #tpu.memory_space<vmem_shared>>) dst(%arg9 : memref<32x128xf32, #tpu.memory_space<vmem>>)
    %add3A_80 = arith.constant 96 : i32
    %add3A_81 = arith.addi %mul3A_2, %add3A_80 : i32
    %dma_start3A_82 = arith.constant 0 : i32
    %dma_start3A_83 = tpu.memref_slice %arg4[%add3A_81, %dma_start3A_82] : memref<320000x128xf32, #tpu.memory_space<hbm>> -> memref<32x128xf32, #tpu.memory_space<hbm>>
    %dma_start3A_84 = arith.constant 0 : i32
    %dma_start3A_85 = tpu.memref_slice %arg4[%add3A_81, %dma_start3A_84] : memref<320000x128xf32, #tpu.memory_space<hbm>> -> memref<32x128xf32, #tpu.memory_space<hbm>>
    tpu.enqueue_dma source(%arg9 : memref<32x128xf32, #tpu.memory_space<vmem>>) target(%dma_start3A_85 : memref<32x128xf32, #tpu.memory_space<hbm>>) target_semaphore(%arg26 : memref<!tpu.dma_semaphore, #tpu.memory_space<semaphore_mem>>)
    %dma_start3A_86 = arith.constant 224 : i32
    %dma_start3A_87 = tpu.memref_slice %arg5[%dma_start3A_86] : memref<10000xi32, #tpu.memory_space<vmem>> -> memref<32xi32, #tpu.memory_space<vmem>>
    %dma_start3A_88 = arith.constant 0 : i32
    %dma_start3A_89 = arith.constant 0 : i32
    %dma_start3A_90 = tpu.memref_slice %arg14[%dma_start3A_88, %dma_start3A_89] : memref<10000x128xf32, #tpu.memory_space<vmem_shared>> -> memref<10000x128xf32, #tpu.memory_space<vmem_shared>>
    tpu.enqueue_indirect_dma source(%dma_start3A_90 : memref<10000x128xf32, #tpu.memory_space<vmem_shared>>) target(%arg13 : memref<32x128xf32, #tpu.memory_space<vmem>>) offsets(%dma_start3A_87 : memref<32xi32, #tpu.memory_space<vmem>>) semaphore(%arg22 : memref<!tpu.dma_semaphore, #tpu.memory_space<semaphore_mem>>)
    %dma_wait3A_91 = arith.constant 128 : i32
    %dma_wait3A_92 = tpu.memref_slice %arg5[%dma_wait3A_91] : memref<10000xi32, #tpu.memory_space<vmem>> -> memref<32xi32, #tpu.memory_space<vmem>>
    %dma_wait3A_93 = arith.constant 0 : i32
    %dma_wait3A_94 = arith.constant 0 : i32
    %dma_wait3A_95 = tpu.memref_slice %arg14[%dma_wait3A_93, %dma_wait3A_94] : memref<10000x128xf32, #tpu.memory_space<vmem_shared>> -> memref<10000x128xf32, #tpu.memory_space<vmem_shared>>
    tpu.wait_indirect_dma semaphore(%arg19 : memref<!tpu.dma_semaphore, #tpu.memory_space<semaphore_mem>>) src(%dma_wait3A_95 : memref<10000x128xf32, #tpu.memory_space<vmem_shared>>) dst(%arg10 : memref<32x128xf32, #tpu.memory_space<vmem>>)
    %add3A_96 = arith.constant 128 : i32
    %add3A_97 = arith.addi %mul3A_2, %add3A_96 : i32
    %dma_start3A_98 = arith.constant 0 : i32
    %dma_start3A_99 = tpu.memref_slice %arg4[%add3A_97, %dma_start3A_98] : memref<320000x128xf32, #tpu.memory_space<hbm>> -> memref<32x128xf32, #tpu.memory_space<hbm>>
    %dma_start3A_100 = arith.constant 0 : i32
    %dma_start3A_101 = tpu.memref_slice %arg4[%add3A_97, %dma_start3A_100] : memref<320000x128xf32, #tpu.memory_space<hbm>> -> memref<32x128xf32, #tpu.memory_space<hbm>>
    tpu.enqueue_dma source(%arg10 : memref<32x128xf32, #tpu.memory_space<vmem>>) target(%dma_start3A_101 : memref<32x128xf32, #tpu.memory_space<hbm>>) target_semaphore(%arg27 : memref<!tpu.dma_semaphore, #tpu.memory_space<semaphore_mem>>)
    %add3A_102 = arith.constant 0 : i32
    %add3A_103 = arith.addi %mul3A_2, %add3A_102 : i32
    %dma_wait3A_104 = arith.constant 0 : i32
    %dma_wait3A_105 = tpu.memref_slice %arg4[%add3A_103, %dma_wait3A_104] : memref<320000x128xf32, #tpu.memory_space<hbm>> -> memref<32x128xf32, #tpu.memory_space<hbm>>
    %dma_wait3A_106 = arith.constant 0 : i32
    %dma_wait3A_107 = tpu.memref_slice %arg4[%add3A_103, %dma_wait3A_106] : memref<320000x128xf32, #tpu.memory_space<hbm>> -> memref<32x128xf32, #tpu.memory_space<hbm>>
    tpu.wait_dma2 semaphore(%arg23 : memref<!tpu.dma_semaphore, #tpu.memory_space<semaphore_mem>>) src(%arg6 : memref<32x128xf32, #tpu.memory_space<vmem>>) dst(%dma_wait3A_107 : memref<32x128xf32, #tpu.memory_space<hbm>>)
    %dma_start3A_108 = arith.constant 256 : i32
    %dma_start3A_109 = tpu.memref_slice %arg5[%dma_start3A_108] : memref<10000xi32, #tpu.memory_space<vmem>> -> memref<32xi32, #tpu.memory_space<vmem>>
    %dma_start3A_110 = arith.constant 0 : i32
    %dma_start3A_111 = arith.constant 0 : i32
    %dma_start3A_112 = tpu.memref_slice %arg14[%dma_start3A_110, %dma_start3A_111] : memref<10000x128xf32, #tpu.memory_space<vmem_shared>> -> memref<10000x128xf32, #tpu.memory_space<vmem_shared>>
    tpu.enqueue_indirect_dma source(%dma_start3A_112 : memref<10000x128xf32, #tpu.memory_space<vmem_shared>>) target(%arg6 : memref<32x128xf32, #tpu.memory_space<vmem>>) offsets(%dma_start3A_109 : memref<32xi32, #tpu.memory_space<vmem>>) semaphore(%arg15 : memref<!tpu.dma_semaphore, #tpu.memory_space<semaphore_mem>>)
    %dma_wait3A_113 = arith.constant 160 : i32
    %dma_wait3A_114 = tpu.memref_slice %arg5[%dma_wait3A_113] : memref<10000xi32, #tpu.memory_space<vmem>> -> memref<32xi32, #tpu.memory_space<vmem>>
    %dma_wait3A_115 = arith.constant 0 : i32
    %dma_wait3A_116 = arith.constant 0 : i32
    %dma_wait3A_117 = tpu.memref_slice %arg14[%dma_wait3A_115, %dma_wait3A_116] : memref<10000x128xf32, #tpu.memory_space<vmem_shared>> -> memref<10000x128xf32, #tpu.memory_space<vmem_shared>>
    tpu.wait_indirect_dma semaphore(%arg20 : memref<!tpu.dma_semaphore, #tpu.memory_space<semaphore_mem>>) src(%dma_wait3A_117 : memref<10000x128xf32, #tpu.memory_space<vmem_shared>>) dst(%arg11 : memref<32x128xf32, #tpu.memory_space<vmem>>)
    %add3A_118 = arith.constant 160 : i32
    %add3A_119 = arith.addi %mul3A_2, %add3A_118 : i32
    %dma_start3A_120 = arith.constant 0 : i32
    %dma_start3A_121 = tpu.memref_slice %arg4[%add3A_119, %dma_start3A_120] : memref<320000x128xf32, #tpu.memory_space<hbm>> -> memref<32x128xf32, #tpu.memory_space<hbm>>
    %dma_start3A_122 = arith.constant 0 : i32
    %dma_start3A_123 = tpu.memref_slice %arg4[%add3A_119, %dma_start3A_122] : memref<320000x128xf32, #tpu.memory_space<hbm>> -> memref<32x128xf32, #tpu.memory_space<hbm>>
    tpu.enqueue_dma source(%arg11 : memref<32x128xf32, #tpu.memory_space<vmem>>) target(%dma_start3A_123 : memref<32x128xf32, #tpu.memory_space<hbm>>) target_semaphore(%arg28 : memref<!tpu.dma_semaphore, #tpu.memory_space<semaphore_mem>>)
    %add3A_124 = arith.constant 32 : i32
    %add3A_125 = arith.addi %mul3A_2, %add3A_124 : i32
    %dma_wait3A_126 = arith.constant 0 : i32
    %dma_wait3A_127 = tpu.memref_slice %arg4[%add3A_125, %dma_wait3A_126] : memref<320000x128xf32, #tpu.memory_space<hbm>> -> memref<32x128xf32, #tpu.memory_space<hbm>>
    %dma_wait3A_128 = arith.constant 0 : i32
    %dma_wait3A_129 = tpu.memref_slice %arg4[%add3A_125, %dma_wait3A_128] : memref<320000x128xf32, #tpu.memory_space<hbm>> -> memref<32x128xf32, #tpu.memory_space<hbm>>
    tpu.wait_dma2 semaphore(%arg24 : memref<!tpu.dma_semaphore, #tpu.memory_space<semaphore_mem>>) src(%arg7 : memref<32x128xf32, #tpu.memory_space<vmem>>) dst(%dma_wait3A_129 : memref<32x128xf32, #tpu.memory_space<hbm>>)
    %dma_start3A_130 = arith.constant 288 : i32
    %dma_start3A_131 = tpu.memref_slice %arg5[%dma_start3A_130] : memref<10000xi32, #tpu.memory_space<vmem>> -> memref<32xi32, #tpu.memory_space<vmem>>
    %dma_start3A_132 = arith.constant 0 : i32
    %dma_start3A_133 = arith.constant 0 : i32
    %dma_start3A_134 = tpu.memref_slice %arg14[%dma_start3A_132, %dma_start3A_133] : memref<10000x128xf32, #tpu.memory_space<vmem_shared>> -> memref<10000x128xf32, #tpu.memory_space<vmem_shared>>
    tpu.enqueue_indirect_dma source(%dma_start3A_134 : memref<10000x128xf32, #tpu.memory_space<vmem_shared>>) target(%arg7 : memref<32x128xf32, #tpu.memory_space<vmem>>) offsets(%dma_start3A_131 : memref<32xi32, #tpu.memory_space<vmem>>) semaphore(%arg16 : memref<!tpu.dma_semaphore, #tpu.memory_space<semaphore_mem>>)
    %dma_wait3A_135 = arith.constant 192 : i32
    %dma_wait3A_136 = tpu.memref_slice %arg5[%dma_wait3A_135] : memref<10000xi32, #tpu.memory_space<vmem>> -> memref<32xi32, #tpu.memory_space<vmem>>
    %dma_wait3A_137 = arith.constant 0 : i32
    %dma_wait3A_138 = arith.constant 0 : i32
    %dma_wait3A_139 = tpu.memref_slice %arg14[%dma_wait3A_137, %dma_wait3A_138] : memref<10000x128xf32, #tpu.memory_space<vmem_shared>> -> memref<10000x128xf32, #tpu.memory_space<vmem_shared>>
    tpu.wait_indirect_dma semaphore(%arg21 : memref<!tpu.dma_semaphore, #tpu.memory_space<semaphore_mem>>) src(%dma_wait3A_139 : memref<10000x128xf32, #tpu.memory_space<vmem_shared>>) dst(%arg12 : memref<32x128xf32, #tpu.memory_space<vmem>>)
    %add3A_140 = arith.constant 192 : i32
    %add3A_141 = arith.addi %mul3A_2, %add3A_140 : i32
    %dma_start3A_142 = arith.constant 0 : i32
    %dma_start3A_143 = tpu.memref_slice %arg4[%add3A_141, %dma_start3A_142] : memref<320000x128xf32, #tpu.memory_space<hbm>> -> memref<32x128xf32, #tpu.memory_space<hbm>>
    %dma_start3A_144 = arith.constant 0 : i32
    %dma_start3A_145 = tpu.memref_slice %arg4[%add3A_141, %dma_start3A_144] : memref<320000x128xf32, #tpu.memory_space<hbm>> -> memref<32x128xf32, #tpu.memory_space<hbm>>
    tpu.enqueue_dma source(%arg12 : memref<32x128xf32, #tpu.memory_space<vmem>>) target(%dma_start3A_145 : memref<32x128xf32, #tpu.memory_space<hbm>>) target_semaphore(%arg29 : memref<!tpu.dma_semaphore, #tpu.memory_space<semaphore_mem>>)
    %add3A_146 = arith.constant 64 : i32
    %add3A_147 = arith.addi %mul3A_2, %add3A_146 : i32
    %dma_wait3A_148 = arith.constant 0 : i32
    %dma_wait3A_149 = tpu.memref_slice %arg4[%add3A_147, %dma_wait3A_148] : memref<320000x128xf32, #tpu.memory_space<hbm>> -> memref<32x128xf32, #tpu.memory_space<hbm>>
    %dma_wait3A_150 = arith.constant 0 : i32
    %dma_wait3A_151 = tpu.memref_slice %arg4[%add3A_147, %dma_wait3A_150] : memref<320000x128xf32, #tpu.memory_space<hbm>> -> memref<32x128xf32, #tpu.memory_space<hbm>>
    tpu.wait_dma2 semaphore(%arg25 : memref<!tpu.dma_semaphore, #tpu.memory_space<semaphore_mem>>) src(%arg8 : memref<32x128xf32, #tpu.memory_space<vmem>>) dst(%dma_wait3A_151 : memref<32x128xf32, #tpu.memory_space<hbm>>)
    %dma_start3A_152 = arith.constant 320 : i32
    %dma_start3A_153 = tpu.memref_slice %arg5[%dma_start3A_152] : memref<10000xi32, #tpu.memory_space<vmem>> -> memref<32xi32, #tpu.memory_space<vmem>>
    %dma_start3A_154 = arith.constant 0 : i32
    %dma_start3A_155 = arith.constant 0 : i32
    %dma_start3A_156 = tpu.memref_slice %arg14[%dma_start3A_154, %dma_start3A_155] : memref<10000x128xf32, #tpu.memory_space<vmem_shared>> -> memref<10000x128xf32, #tpu.memory_space<vmem_shared>>
    tpu.enqueue_indirect_dma source(%dma_start3A_156 : memref<10000x128xf32, #tpu.memory_space<vmem_shared>>) target(%arg8 : memref<32x128xf32, #tpu.memory_space<vmem>>) offsets(%dma_start3A_153 : memref<32xi32, #tpu.memory_space<vmem>>) semaphore(%arg17 : memref<!tpu.dma_semaphore, #tpu.memory_space<semaphore_mem>>)
    %dma_wait3A_157 = arith.constant 224 : i32
    %dma_wait3A_158 = tpu.memref_slice %arg5[%dma_wait3A_157] : memref<10000xi32, #tpu.memory_space<vmem>> -> memref<32xi32, #tpu.memory_space<vmem>>
    %dma_wait3A_159 = arith.constant 0 : i32
    %dma_wait3A_160 = arith.constant 0 : i32
    %dma_wait3A_161 = tpu.memref_slice %arg14[%dma_wait3A_159, %dma_wait3A_160] : memref<10000x128xf32, #tpu.memory_space<vmem_shared>> -> memref<10000x128xf32, #tpu.memory_space<vmem_shared>>
    tpu.wait_indirect_dma semaphore(%arg22 : memref<!tpu.dma_semaphore, #tpu.memory_space<semaphore_mem>>) src(%dma_wait3A_161 : memref<10000x128xf32, #tpu.memory_space<vmem_shared>>) dst(%arg13 : memref<32x128xf32, #tpu.memory_space<vmem>>)
    %add3A_162 = arith.constant 224 : i32
    %add3A_163 = arith.addi %mul3A_2, %add3A_162 : i32
    %dma_start3A_164 = arith.constant 0 : i32
    %dma_start3A_165 = tpu.memref_slice %arg4[%add3A_163, %dma_start3A_164] : memref<320000x128xf32, #tpu.memory_space<hbm>> -> memref<32x128xf32, #tpu.memory_space<hbm>>
    %dma_start3A_166 = arith.constant 0 : i32
    %dma_start3A_167 = tpu.memref_slice %arg4[%add3A_163, %dma_start3A_166] : memref<320000x128xf32, #tpu.memory_space<hbm>> -> memref<32x128xf32, #tpu.memory_space<hbm>>
    tpu.enqueue_dma source(%arg13 : memref<32x128xf32, #tpu.memory_space<vmem>>) target(%dma_start3A_167 : memref<32x128xf32, #tpu.memory_space<hbm>>) target_semaphore(%arg30 : memref<!tpu.dma_semaphore, #tpu.memory_space<semaphore_mem>>)
    %add3A_168 = arith.constant 96 : i32
    %add3A_169 = arith.addi %mul3A_2, %add3A_168 : i32
    %dma_wait3A_170 = arith.constant 0 : i32
    %dma_wait3A_171 = tpu.memref_slice %arg4[%add3A_169, %dma_wait3A_170] : memref<320000x128xf32, #tpu.memory_space<hbm>> -> memref<32x128xf32, #tpu.memory_space<hbm>>
    %dma_wait3A_172 = arith.constant 0 : i32
    %dma_wait3A_173 = tpu.memref_slice %arg4[%add3A_169, %dma_wait3A_172] : memref<320000x128xf32, #tpu.memory_space<hbm>> -> memref<32x128xf32, #tpu.memory_space<hbm>>
    tpu.wait_dma2 semaphore(%arg26 : memref<!tpu.dma_semaphore, #tpu.memory_space<semaphore_mem>>) src(%arg9 : memref<32x128xf32, #tpu.memory_space<vmem>>) dst(%dma_wait3A_173 : memref<32x128xf32, #tpu.memory_space<hbm>>)
    %dma_start3A_174 = arith.constant 352 : i32
    %dma_start3A_175 = tpu.memref_slice %arg5[%dma_start3A_174] : memref<10000xi32, #tpu.memory_space<vmem>> -> memref<32xi32, #tpu.memory_space<vmem>>
    %dma_start3A_176 = arith.constant 0 : i32
    %dma_start3A_177 = arith.constant 0 : i32
    %dma_start3A_178 = tpu.memref_slice %arg14[%dma_start3A_176, %dma_start3A_177] : memref<10000x128xf32, #tpu.memory_space<vmem_shared>> -> memref<10000x128xf32, #tpu.memory_space<vmem_shared>>
    tpu.enqueue_indirect_dma source(%dma_start3A_178 : memref<10000x128xf32, #tpu.memory_space<vmem_shared>>) target(%arg9 : memref<32x128xf32, #tpu.memory_space<vmem>>) offsets(%dma_start3A_175 : memref<32xi32, #tpu.memory_space<vmem>>) semaphore(%arg18 : memref<!tpu.dma_semaphore, #tpu.memory_space<semaphore_mem>>)
    %scan3A = arith.constant 0 : i32
    %scan3A_179 = arith.constant 1 : i32
    %scan3A_180 = arith.constant 37 : i32
    %scan3A_181 = arith.addi %scan3A_179, %scan3A_180 : i32
    %scan3A_182 = arith.constant 1 : i32
    %scan3A_183 = scf.for %scan3A_383 = %scan3A_179 to %scan3A_181 step %scan3A_182 iter_args(%scan3A_384 = %scan3A) -> (i32)  : i32 {
      %mul3A_385 = arith.constant 8 : i32
      %mul3A_386 = arith.muli %mul3A_385, %scan3A_383 : i32
      %add3A_387 = arith.constant 0 : i32
      %add3A_388 = arith.addi %mul3A_386, %add3A_387 : i32
      %mul3A_389 = arith.constant 32 : i32
      %mul3A_390 = arith.muli %add3A_388, %mul3A_389 : i32
      %dma_wait3A_391 = tpu.memref_slice %arg5[%mul3A_390] : memref<10000xi32, #tpu.memory_space<vmem>> -> memref<32xi32, #tpu.memory_space<vmem>>
      %dma_wait3A_392 = arith.constant 0 : i32
      %dma_wait3A_393 = arith.constant 0 : i32
      %dma_wait3A_394 = tpu.memref_slice %arg14[%dma_wait3A_392, %dma_wait3A_393] : memref<10000x128xf32, #tpu.memory_space<vmem_shared>> -> memref<10000x128xf32, #tpu.memory_space<vmem_shared>>
      tpu.wait_indirect_dma semaphore(%arg15 : memref<!tpu.dma_semaphore, #tpu.memory_space<semaphore_mem>>) src(%dma_wait3A_394 : memref<10000x128xf32, #tpu.memory_space<vmem_shared>>) dst(%arg6 : memref<32x128xf32, #tpu.memory_space<vmem>>)
      %mul3A_395 = arith.constant 32 : i32
      %mul3A_396 = arith.muli %add3A_388, %mul3A_395 : i32
      %add3A_397 = arith.addi %mul3A_2, %mul3A_396 : i32
      %dma_start3A_398 = arith.constant 0 : i32
      %dma_start3A_399 = tpu.memref_slice %arg4[%add3A_397, %dma_start3A_398] : memref<320000x128xf32, #tpu.memory_space<hbm>> -> memref<32x128xf32, #tpu.memory_space<hbm>>
      %dma_start3A_400 = arith.constant 0 : i32
      %dma_start3A_401 = tpu.memref_slice %arg4[%add3A_397, %dma_start3A_400] : memref<320000x128xf32, #tpu.memory_space<hbm>> -> memref<32x128xf32, #tpu.memory_space<hbm>>
      tpu.enqueue_dma source(%arg6 : memref<32x128xf32, #tpu.memory_space<vmem>>) target(%dma_start3A_401 : memref<32x128xf32, #tpu.memory_space<hbm>>) target_semaphore(%arg23 : memref<!tpu.dma_semaphore, #tpu.memory_space<semaphore_mem>>)
      %sub3A = arith.constant 4 : i32
      %sub3A_402 = arith.subi %add3A_388, %sub3A : i32
      %mul3A_403 = arith.constant 32 : i32
      %mul3A_404 = arith.muli %sub3A_402, %mul3A_403 : i32
      %add3A_405 = arith.addi %mul3A_2, %mul3A_404 : i32
      %dma_wait3A_406 = arith.constant 0 : i32
      %dma_wait3A_407 = tpu.memref_slice %arg4[%add3A_405, %dma_wait3A_406] : memref<320000x128xf32, #tpu.memory_space<hbm>> -> memref<32x128xf32, #tpu.memory_space<hbm>>
      %dma_wait3A_408 = arith.constant 0 : i32
      %dma_wait3A_409 = tpu.memref_slice %arg4[%add3A_405, %dma_wait3A_408] : memref<320000x128xf32, #tpu.memory_space<hbm>> -> memref<32x128xf32, #tpu.memory_space<hbm>>
      tpu.wait_dma2 semaphore(%arg27 : memref<!tpu.dma_semaphore, #tpu.memory_space<semaphore_mem>>) src(%arg10 : memref<32x128xf32, #tpu.memory_space<vmem>>) dst(%dma_wait3A_409 : memref<32x128xf32, #tpu.memory_space<hbm>>)
      %add3A_410 = arith.constant 4 : i32
      %add3A_411 = arith.addi %add3A_388, %add3A_410 : i32
      %mul3A_412 = arith.constant 32 : i32
      %mul3A_413 = arith.muli %add3A_411, %mul3A_412 : i32
      %dma_start3A_414 = tpu.memref_slice %arg5[%mul3A_413] : memref<10000xi32, #tpu.memory_space<vmem>> -> memref<32xi32, #tpu.memory_space<vmem>>
      %dma_start3A_415 = arith.constant 0 : i32
      %dma_start3A_416 = arith.constant 0 : i32
      %dma_start3A_417 = tpu.memref_slice %arg14[%dma_start3A_415, %dma_start3A_416] : memref<10000x128xf32, #tpu.memory_space<vmem_shared>> -> memref<10000x128xf32, #tpu.memory_space<vmem_shared>>
      tpu.enqueue_indirect_dma source(%dma_start3A_417 : memref<10000x128xf32, #tpu.memory_space<vmem_shared>>) target(%arg10 : memref<32x128xf32, #tpu.memory_space<vmem>>) offsets(%dma_start3A_414 : memref<32xi32, #tpu.memory_space<vmem>>) semaphore(%arg19 : memref<!tpu.dma_semaphore, #tpu.memory_space<semaphore_mem>>)
      %mul3A_418 = arith.constant 8 : i32
      %mul3A_419 = arith.muli %mul3A_418, %scan3A_383 : i32
      %add3A_420 = arith.constant 1 : i32
      %add3A_421 = arith.addi %mul3A_419, %add3A_420 : i32
      %mul3A_422 = arith.constant 32 : i32
      %mul3A_423 = arith.muli %add3A_421, %mul3A_422 : i32
      %dma_wait3A_424 = tpu.memref_slice %arg5[%mul3A_423] : memref<10000xi32, #tpu.memory_space<vmem>> -> memref<32xi32, #tpu.memory_space<vmem>>
      %dma_wait3A_425 = arith.constant 0 : i32
      %dma_wait3A_426 = arith.constant 0 : i32
      %dma_wait3A_427 = tpu.memref_slice %arg14[%dma_wait3A_425, %dma_wait3A_426] : memref<10000x128xf32, #tpu.memory_space<vmem_shared>> -> memref<10000x128xf32, #tpu.memory_space<vmem_shared>>
      tpu.wait_indirect_dma semaphore(%arg16 : memref<!tpu.dma_semaphore, #tpu.memory_space<semaphore_mem>>) src(%dma_wait3A_427 : memref<10000x128xf32, #tpu.memory_space<vmem_shared>>) dst(%arg7 : memref<32x128xf32, #tpu.memory_space<vmem>>)
      %mul3A_428 = arith.constant 32 : i32
      %mul3A_429 = arith.muli %add3A_421, %mul3A_428 : i32
      %add3A_430 = arith.addi %mul3A_2, %mul3A_429 : i32
      %dma_start3A_431 = arith.constant 0 : i32
      %dma_start3A_432 = tpu.memref_slice %arg4[%add3A_430, %dma_start3A_431] : memref<320000x128xf32, #tpu.memory_space<hbm>> -> memref<32x128xf32, #tpu.memory_space<hbm>>
      %dma_start3A_433 = arith.constant 0 : i32
      %dma_start3A_434 = tpu.memref_slice %arg4[%add3A_430, %dma_start3A_433] : memref<320000x128xf32, #tpu.memory_space<hbm>> -> memref<32x128xf32, #tpu.memory_space<hbm>>
      tpu.enqueue_dma source(%arg7 : memref<32x128xf32, #tpu.memory_space<vmem>>) target(%dma_start3A_434 : memref<32x128xf32, #tpu.memory_space<hbm>>) target_semaphore(%arg24 : memref<!tpu.dma_semaphore, #tpu.memory_space<semaphore_mem>>)
      %sub3A_435 = arith.constant 4 : i32
      %sub3A_436 = arith.subi %add3A_421, %sub3A_435 : i32
      %mul3A_437 = arith.constant 32 : i32
      %mul3A_438 = arith.muli %sub3A_436, %mul3A_437 : i32
      %add3A_439 = arith.addi %mul3A_2, %mul3A_438 : i32
      %dma_wait3A_440 = arith.constant 0 : i32
      %dma_wait3A_441 = tpu.memref_slice %arg4[%add3A_439, %dma_wait3A_440] : memref<320000x128xf32, #tpu.memory_space<hbm>> -> memref<32x128xf32, #tpu.memory_space<hbm>>
      %dma_wait3A_442 = arith.constant 0 : i32
      %dma_wait3A_443 = tpu.memref_slice %arg4[%add3A_439, %dma_wait3A_442] : memref<320000x128xf32, #tpu.memory_space<hbm>> -> memref<32x128xf32, #tpu.memory_space<hbm>>
      tpu.wait_dma2 semaphore(%arg28 : memref<!tpu.dma_semaphore, #tpu.memory_space<semaphore_mem>>) src(%arg11 : memref<32x128xf32, #tpu.memory_space<vmem>>) dst(%dma_wait3A_443 : memref<32x128xf32, #tpu.memory_space<hbm>>)
      %add3A_444 = arith.constant 4 : i32
      %add3A_445 = arith.addi %add3A_421, %add3A_444 : i32
      %mul3A_446 = arith.constant 32 : i32
      %mul3A_447 = arith.muli %add3A_445, %mul3A_446 : i32
      %dma_start3A_448 = tpu.memref_slice %arg5[%mul3A_447] : memref<10000xi32, #tpu.memory_space<vmem>> -> memref<32xi32, #tpu.memory_space<vmem>>
      %dma_start3A_449 = arith.constant 0 : i32
      %dma_start3A_450 = arith.constant 0 : i32
      %dma_start3A_451 = tpu.memref_slice %arg14[%dma_start3A_449, %dma_start3A_450] : memref<10000x128xf32, #tpu.memory_space<vmem_shared>> -> memref<10000x128xf32, #tpu.memory_space<vmem_shared>>
      tpu.enqueue_indirect_dma source(%dma_start3A_451 : memref<10000x128xf32, #tpu.memory_space<vmem_shared>>) target(%arg11 : memref<32x128xf32, #tpu.memory_space<vmem>>) offsets(%dma_start3A_448 : memref<32xi32, #tpu.memory_space<vmem>>) semaphore(%arg20 : memref<!tpu.dma_semaphore, #tpu.memory_space<semaphore_mem>>)
      %mul3A_452 = arith.constant 8 : i32
      %mul3A_453 = arith.muli %mul3A_452, %scan3A_383 : i32
      %add3A_454 = arith.constant 2 : i32
      %add3A_455 = arith.addi %mul3A_453, %add3A_454 : i32
      %mul3A_456 = arith.constant 32 : i32
      %mul3A_457 = arith.muli %add3A_455, %mul3A_456 : i32
      %dma_wait3A_458 = tpu.memref_slice %arg5[%mul3A_457] : memref<10000xi32, #tpu.memory_space<vmem>> -> memref<32xi32, #tpu.memory_space<vmem>>
      %dma_wait3A_459 = arith.constant 0 : i32
      %dma_wait3A_460 = arith.constant 0 : i32
      %dma_wait3A_461 = tpu.memref_slice %arg14[%dma_wait3A_459, %dma_wait3A_460] : memref<10000x128xf32, #tpu.memory_space<vmem_shared>> -> memref<10000x128xf32, #tpu.memory_space<vmem_shared>>
      tpu.wait_indirect_dma semaphore(%arg17 : memref<!tpu.dma_semaphore, #tpu.memory_space<semaphore_mem>>) src(%dma_wait3A_461 : memref<10000x128xf32, #tpu.memory_space<vmem_shared>>) dst(%arg8 : memref<32x128xf32, #tpu.memory_space<vmem>>)
      %mul3A_462 = arith.constant 32 : i32
      %mul3A_463 = arith.muli %add3A_455, %mul3A_462 : i32
      %add3A_464 = arith.addi %mul3A_2, %mul3A_463 : i32
      %dma_start3A_465 = arith.constant 0 : i32
      %dma_start3A_466 = tpu.memref_slice %arg4[%add3A_464, %dma_start3A_465] : memref<320000x128xf32, #tpu.memory_space<hbm>> -> memref<32x128xf32, #tpu.memory_space<hbm>>
      %dma_start3A_467 = arith.constant 0 : i32
      %dma_start3A_468 = tpu.memref_slice %arg4[%add3A_464, %dma_start3A_467] : memref<320000x128xf32, #tpu.memory_space<hbm>> -> memref<32x128xf32, #tpu.memory_space<hbm>>
      tpu.enqueue_dma source(%arg8 : memref<32x128xf32, #tpu.memory_space<vmem>>) target(%dma_start3A_468 : memref<32x128xf32, #tpu.memory_space<hbm>>) target_semaphore(%arg25 : memref<!tpu.dma_semaphore, #tpu.memory_space<semaphore_mem>>)
      %sub3A_469 = arith.constant 4 : i32
      %sub3A_470 = arith.subi %add3A_455, %sub3A_469 : i32
      %mul3A_471 = arith.constant 32 : i32
      %mul3A_472 = arith.muli %sub3A_470, %mul3A_471 : i32
      %add3A_473 = arith.addi %mul3A_2, %mul3A_472 : i32
      %dma_wait3A_474 = arith.constant 0 : i32
      %dma_wait3A_475 = tpu.memref_slice %arg4[%add3A_473, %dma_wait3A_474] : memref<320000x128xf32, #tpu.memory_space<hbm>> -> memref<32x128xf32, #tpu.memory_space<hbm>>
      %dma_wait3A_476 = arith.constant 0 : i32
      %dma_wait3A_477 = tpu.memref_slice %arg4[%add3A_473, %dma_wait3A_476] : memref<320000x128xf32, #tpu.memory_space<hbm>> -> memref<32x128xf32, #tpu.memory_space<hbm>>
      tpu.wait_dma2 semaphore(%arg29 : memref<!tpu.dma_semaphore, #tpu.memory_space<semaphore_mem>>) src(%arg12 : memref<32x128xf32, #tpu.memory_space<vmem>>) dst(%dma_wait3A_477 : memref<32x128xf32, #tpu.memory_space<hbm>>)
      %add3A_478 = arith.constant 4 : i32
      %add3A_479 = arith.addi %add3A_455, %add3A_478 : i32
      %mul3A_480 = arith.constant 32 : i32
      %mul3A_481 = arith.muli %add3A_479, %mul3A_480 : i32
      %dma_start3A_482 = tpu.memref_slice %arg5[%mul3A_481] : memref<10000xi32, #tpu.memory_space<vmem>> -> memref<32xi32, #tpu.memory_space<vmem>>
      %dma_start3A_483 = arith.constant 0 : i32
      %dma_start3A_484 = arith.constant 0 : i32
      %dma_start3A_485 = tpu.memref_slice %arg14[%dma_start3A_483, %dma_start3A_484] : memref<10000x128xf32, #tpu.memory_space<vmem_shared>> -> memref<10000x128xf32, #tpu.memory_space<vmem_shared>>
      tpu.enqueue_indirect_dma source(%dma_start3A_485 : memref<10000x128xf32, #tpu.memory_space<vmem_shared>>) target(%arg12 : memref<32x128xf32, #tpu.memory_space<vmem>>) offsets(%dma_start3A_482 : memref<32xi32, #tpu.memory_space<vmem>>) semaphore(%arg21 : memref<!tpu.dma_semaphore, #tpu.memory_space<semaphore_mem>>)
      %mul3A_486 = arith.constant 8 : i32
      %mul3A_487 = arith.muli %mul3A_486, %scan3A_383 : i32
      %add3A_488 = arith.constant 3 : i32
      %add3A_489 = arith.addi %mul3A_487, %add3A_488 : i32
      %mul3A_490 = arith.constant 32 : i32
      %mul3A_491 = arith.muli %add3A_489, %mul3A_490 : i32
      %dma_wait3A_492 = tpu.memref_slice %arg5[%mul3A_491] : memref<10000xi32, #tpu.memory_space<vmem>> -> memref<32xi32, #tpu.memory_space<vmem>>
      %dma_wait3A_493 = arith.constant 0 : i32
      %dma_wait3A_494 = arith.constant 0 : i32
      %dma_wait3A_495 = tpu.memref_slice %arg14[%dma_wait3A_493, %dma_wait3A_494] : memref<10000x128xf32, #tpu.memory_space<vmem_shared>> -> memref<10000x128xf32, #tpu.memory_space<vmem_shared>>
      tpu.wait_indirect_dma semaphore(%arg18 : memref<!tpu.dma_semaphore, #tpu.memory_space<semaphore_mem>>) src(%dma_wait3A_495 : memref<10000x128xf32, #tpu.memory_space<vmem_shared>>) dst(%arg9 : memref<32x128xf32, #tpu.memory_space<vmem>>)
      %mul3A_496 = arith.constant 32 : i32
      %mul3A_497 = arith.muli %add3A_489, %mul3A_496 : i32
      %add3A_498 = arith.addi %mul3A_2, %mul3A_497 : i32
      %dma_start3A_499 = arith.constant 0 : i32
      %dma_start3A_500 = tpu.memref_slice %arg4[%add3A_498, %dma_start3A_499] : memref<320000x128xf32, #tpu.memory_space<hbm>> -> memref<32x128xf32, #tpu.memory_space<hbm>>
      %dma_start3A_501 = arith.constant 0 : i32
      %dma_start3A_502 = tpu.memref_slice %arg4[%add3A_498, %dma_start3A_501] : memref<320000x128xf32, #tpu.memory_space<hbm>> -> memref<32x128xf32, #tpu.memory_space<hbm>>
      tpu.enqueue_dma source(%arg9 : memref<32x128xf32, #tpu.memory_space<vmem>>) target(%dma_start3A_502 : memref<32x128xf32, #tpu.memory_space<hbm>>) target_semaphore(%arg26 : memref<!tpu.dma_semaphore, #tpu.memory_space<semaphore_mem>>)
      %sub3A_503 = arith.constant 4 : i32
      %sub3A_504 = arith.subi %add3A_489, %sub3A_503 : i32
      %mul3A_505 = arith.constant 32 : i32
      %mul3A_506 = arith.muli %sub3A_504, %mul3A_505 : i32
      %add3A_507 = arith.addi %mul3A_2, %mul3A_506 : i32
      %dma_wait3A_508 = arith.constant 0 : i32
      %dma_wait3A_509 = tpu.memref_slice %arg4[%add3A_507, %dma_wait3A_508] : memref<320000x128xf32, #tpu.memory_space<hbm>> -> memref<32x128xf32, #tpu.memory_space<hbm>>
      %dma_wait3A_510 = arith.constant 0 : i32
      %dma_wait3A_511 = tpu.memref_slice %arg4[%add3A_507, %dma_wait3A_510] : memref<320000x128xf32, #tpu.memory_space<hbm>> -> memref<32x128xf32, #tpu.memory_space<hbm>>
      tpu.wait_dma2 semaphore(%arg30 : memref<!tpu.dma_semaphore, #tpu.memory_space<semaphore_mem>>) src(%arg13 : memref<32x128xf32, #tpu.memory_space<vmem>>) dst(%dma_wait3A_511 : memref<32x128xf32, #tpu.memory_space<hbm>>)
      %add3A_512 = arith.constant 4 : i32
      %add3A_513 = arith.addi %add3A_489, %add3A_512 : i32
      %mul3A_514 = arith.constant 32 : i32
      %mul3A_515 = arith.muli %add3A_513, %mul3A_514 : i32
      %dma_start3A_516 = tpu.memref_slice %arg5[%mul3A_515] : memref<10000xi32, #tpu.memory_space<vmem>> -> memref<32xi32, #tpu.memory_space<vmem>>
      %dma_start3A_517 = arith.constant 0 : i32
      %dma_start3A_518 = arith.constant 0 : i32
      %dma_start3A_519 = tpu.memref_slice %arg14[%dma_start3A_517, %dma_start3A_518] : memref<10000x128xf32, #tpu.memory_space<vmem_shared>> -> memref<10000x128xf32, #tpu.memory_space<vmem_shared>>
      tpu.enqueue_indirect_dma source(%dma_start3A_519 : memref<10000x128xf32, #tpu.memory_space<vmem_shared>>) target(%arg13 : memref<32x128xf32, #tpu.memory_space<vmem>>) offsets(%dma_start3A_516 : memref<32xi32, #tpu.memory_space<vmem>>) semaphore(%arg22 : memref<!tpu.dma_semaphore, #tpu.memory_space<semaphore_mem>>)
      %mul3A_520 = arith.constant 8 : i32
      %mul3A_521 = arith.muli %mul3A_520, %scan3A_383 : i32
      %add3A_522 = arith.constant 4 : i32
      %add3A_523 = arith.addi %mul3A_521, %add3A_522 : i32
      %mul3A_524 = arith.constant 32 : i32
      %mul3A_525 = arith.muli %add3A_523, %mul3A_524 : i32
      %dma_wait3A_526 = tpu.memref_slice %arg5[%mul3A_525] : memref<10000xi32, #tpu.memory_space<vmem>> -> memref<32xi32, #tpu.memory_space<vmem>>
      %dma_wait3A_527 = arith.constant 0 : i32
      %dma_wait3A_528 = arith.constant 0 : i32
      %dma_wait3A_529 = tpu.memref_slice %arg14[%dma_wait3A_527, %dma_wait3A_528] : memref<10000x128xf32, #tpu.memory_space<vmem_shared>> -> memref<10000x128xf32, #tpu.memory_space<vmem_shared>>
      tpu.wait_indirect_dma semaphore(%arg19 : memref<!tpu.dma_semaphore, #tpu.memory_space<semaphore_mem>>) src(%dma_wait3A_529 : memref<10000x128xf32, #tpu.memory_space<vmem_shared>>) dst(%arg10 : memref<32x128xf32, #tpu.memory_space<vmem>>)
      %mul3A_530 = arith.constant 32 : i32
      %mul3A_531 = arith.muli %add3A_523, %mul3A_530 : i32
      %add3A_532 = arith.addi %mul3A_2, %mul3A_531 : i32
      %dma_start3A_533 = arith.constant 0 : i32
      %dma_start3A_534 = tpu.memref_slice %arg4[%add3A_532, %dma_start3A_533] : memref<320000x128xf32, #tpu.memory_space<hbm>> -> memref<32x128xf32, #tpu.memory_space<hbm>>
      %dma_start3A_535 = arith.constant 0 : i32
      %dma_start3A_536 = tpu.memref_slice %arg4[%add3A_532, %dma_start3A_535] : memref<320000x128xf32, #tpu.memory_space<hbm>> -> memref<32x128xf32, #tpu.memory_space<hbm>>
      tpu.enqueue_dma source(%arg10 : memref<32x128xf32, #tpu.memory_space<vmem>>) target(%dma_start3A_536 : memref<32x128xf32, #tpu.memory_space<hbm>>) target_semaphore(%arg27 : memref<!tpu.dma_semaphore, #tpu.memory_space<semaphore_mem>>)
      %sub3A_537 = arith.constant 4 : i32
      %sub3A_538 = arith.subi %add3A_523, %sub3A_537 : i32
      %mul3A_539 = arith.constant 32 : i32
      %mul3A_540 = arith.muli %sub3A_538, %mul3A_539 : i32
      %add3A_541 = arith.addi %mul3A_2, %mul3A_540 : i32
      %dma_wait3A_542 = arith.constant 0 : i32
      %dma_wait3A_543 = tpu.memref_slice %arg4[%add3A_541, %dma_wait3A_542] : memref<320000x128xf32, #tpu.memory_space<hbm>> -> memref<32x128xf32, #tpu.memory_space<hbm>>
      %dma_wait3A_544 = arith.constant 0 : i32
      %dma_wait3A_545 = tpu.memref_slice %arg4[%add3A_541, %dma_wait3A_544] : memref<320000x128xf32, #tpu.memory_space<hbm>> -> memref<32x128xf32, #tpu.memory_space<hbm>>
      tpu.wait_dma2 semaphore(%arg23 : memref<!tpu.dma_semaphore, #tpu.memory_space<semaphore_mem>>) src(%arg6 : memref<32x128xf32, #tpu.memory_space<vmem>>) dst(%dma_wait3A_545 : memref<32x128xf32, #tpu.memory_space<hbm>>)
      %add3A_546 = arith.constant 4 : i32
      %add3A_547 = arith.addi %add3A_523, %add3A_546 : i32
      %mul3A_548 = arith.constant 32 : i32
      %mul3A_549 = arith.muli %add3A_547, %mul3A_548 : i32
      %dma_start3A_550 = tpu.memref_slice %arg5[%mul3A_549] : memref<10000xi32, #tpu.memory_space<vmem>> -> memref<32xi32, #tpu.memory_space<vmem>>
      %dma_start3A_551 = arith.constant 0 : i32
      %dma_start3A_552 = arith.constant 0 : i32
      %dma_start3A_553 = tpu.memref_slice %arg14[%dma_start3A_551, %dma_start3A_552] : memref<10000x128xf32, #tpu.memory_space<vmem_shared>> -> memref<10000x128xf32, #tpu.memory_space<vmem_shared>>
      tpu.enqueue_indirect_dma source(%dma_start3A_553 : memref<10000x128xf32, #tpu.memory_space<vmem_shared>>) target(%arg6 : memref<32x128xf32, #tpu.memory_space<vmem>>) offsets(%dma_start3A_550 : memref<32xi32, #tpu.memory_space<vmem>>) semaphore(%arg15 : memref<!tpu.dma_semaphore, #tpu.memory_space<semaphore_mem>>)
      %mul3A_554 = arith.constant 8 : i32
      %mul3A_555 = arith.muli %mul3A_554, %scan3A_383 : i32
      %add3A_556 = arith.constant 5 : i32
      %add3A_557 = arith.addi %mul3A_555, %add3A_556 : i32
      %mul3A_558 = arith.constant 32 : i32
      %mul3A_559 = arith.muli %add3A_557, %mul3A_558 : i32
      %dma_wait3A_560 = tpu.memref_slice %arg5[%mul3A_559] : memref<10000xi32, #tpu.memory_space<vmem>> -> memref<32xi32, #tpu.memory_space<vmem>>
      %dma_wait3A_561 = arith.constant 0 : i32
      %dma_wait3A_562 = arith.constant 0 : i32
      %dma_wait3A_563 = tpu.memref_slice %arg14[%dma_wait3A_561, %dma_wait3A_562] : memref<10000x128xf32, #tpu.memory_space<vmem_shared>> -> memref<10000x128xf32, #tpu.memory_space<vmem_shared>>
      tpu.wait_indirect_dma semaphore(%arg20 : memref<!tpu.dma_semaphore, #tpu.memory_space<semaphore_mem>>) src(%dma_wait3A_563 : memref<10000x128xf32, #tpu.memory_space<vmem_shared>>) dst(%arg11 : memref<32x128xf32, #tpu.memory_space<vmem>>)
      %mul3A_564 = arith.constant 32 : i32
      %mul3A_565 = arith.muli %add3A_557, %mul3A_564 : i32
      %add3A_566 = arith.addi %mul3A_2, %mul3A_565 : i32
      %dma_start3A_567 = arith.constant 0 : i32
      %dma_start3A_568 = tpu.memref_slice %arg4[%add3A_566, %dma_start3A_567] : memref<320000x128xf32, #tpu.memory_space<hbm>> -> memref<32x128xf32, #tpu.memory_space<hbm>>
      %dma_start3A_569 = arith.constant 0 : i32
      %dma_start3A_570 = tpu.memref_slice %arg4[%add3A_566, %dma_start3A_569] : memref<320000x128xf32, #tpu.memory_space<hbm>> -> memref<32x128xf32, #tpu.memory_space<hbm>>
      tpu.enqueue_dma source(%arg11 : memref<32x128xf32, #tpu.memory_space<vmem>>) target(%dma_start3A_570 : memref<32x128xf32, #tpu.memory_space<hbm>>) target_semaphore(%arg28 : memref<!tpu.dma_semaphore, #tpu.memory_space<semaphore_mem>>)
      %sub3A_571 = arith.constant 4 : i32
      %sub3A_572 = arith.subi %add3A_557, %sub3A_571 : i32
      %mul3A_573 = arith.constant 32 : i32
      %mul3A_574 = arith.muli %sub3A_572, %mul3A_573 : i32
      %add3A_575 = arith.addi %mul3A_2, %mul3A_574 : i32
      %dma_wait3A_576 = arith.constant 0 : i32
      %dma_wait3A_577 = tpu.memref_slice %arg4[%add3A_575, %dma_wait3A_576] : memref<320000x128xf32, #tpu.memory_space<hbm>> -> memref<32x128xf32, #tpu.memory_space<hbm>>
      %dma_wait3A_578 = arith.constant 0 : i32
      %dma_wait3A_579 = tpu.memref_slice %arg4[%add3A_575, %dma_wait3A_578] : memref<320000x128xf32, #tpu.memory_space<hbm>> -> memref<32x128xf32, #tpu.memory_space<hbm>>
      tpu.wait_dma2 semaphore(%arg24 : memref<!tpu.dma_semaphore, #tpu.memory_space<semaphore_mem>>) src(%arg7 : memref<32x128xf32, #tpu.memory_space<vmem>>) dst(%dma_wait3A_579 : memref<32x128xf32, #tpu.memory_space<hbm>>)
      %add3A_580 = arith.constant 4 : i32
      %add3A_581 = arith.addi %add3A_557, %add3A_580 : i32
      %mul3A_582 = arith.constant 32 : i32
      %mul3A_583 = arith.muli %add3A_581, %mul3A_582 : i32
      %dma_start3A_584 = tpu.memref_slice %arg5[%mul3A_583] : memref<10000xi32, #tpu.memory_space<vmem>> -> memref<32xi32, #tpu.memory_space<vmem>>
      %dma_start3A_585 = arith.constant 0 : i32
      %dma_start3A_586 = arith.constant 0 : i32
      %dma_start3A_587 = tpu.memref_slice %arg14[%dma_start3A_585, %dma_start3A_586] : memref<10000x128xf32, #tpu.memory_space<vmem_shared>> -> memref<10000x128xf32, #tpu.memory_space<vmem_shared>>
      tpu.enqueue_indirect_dma source(%dma_start3A_587 : memref<10000x128xf32, #tpu.memory_space<vmem_shared>>) target(%arg7 : memref<32x128xf32, #tpu.memory_space<vmem>>) offsets(%dma_start3A_584 : memref<32xi32, #tpu.memory_space<vmem>>) semaphore(%arg16 : memref<!tpu.dma_semaphore, #tpu.memory_space<semaphore_mem>>)
      %mul3A_588 = arith.constant 8 : i32
      %mul3A_589 = arith.muli %mul3A_588, %scan3A_383 : i32
      %add3A_590 = arith.constant 6 : i32
      %add3A_591 = arith.addi %mul3A_589, %add3A_590 : i32
      %mul3A_592 = arith.constant 32 : i32
      %mul3A_593 = arith.muli %add3A_591, %mul3A_592 : i32
      %dma_wait3A_594 = tpu.memref_slice %arg5[%mul3A_593] : memref<10000xi32, #tpu.memory_space<vmem>> -> memref<32xi32, #tpu.memory_space<vmem>>
      %dma_wait3A_595 = arith.constant 0 : i32
      %dma_wait3A_596 = arith.constant 0 : i32
      %dma_wait3A_597 = tpu.memref_slice %arg14[%dma_wait3A_595, %dma_wait3A_596] : memref<10000x128xf32, #tpu.memory_space<vmem_shared>> -> memref<10000x128xf32, #tpu.memory_space<vmem_shared>>
      tpu.wait_indirect_dma semaphore(%arg21 : memref<!tpu.dma_semaphore, #tpu.memory_space<semaphore_mem>>) src(%dma_wait3A_597 : memref<10000x128xf32, #tpu.memory_space<vmem_shared>>) dst(%arg12 : memref<32x128xf32, #tpu.memory_space<vmem>>)
      %mul3A_598 = arith.constant 32 : i32
      %mul3A_599 = arith.muli %add3A_591, %mul3A_598 : i32
      %add3A_600 = arith.addi %mul3A_2, %mul3A_599 : i32
      %dma_start3A_601 = arith.constant 0 : i32
      %dma_start3A_602 = tpu.memref_slice %arg4[%add3A_600, %dma_start3A_601] : memref<320000x128xf32, #tpu.memory_space<hbm>> -> memref<32x128xf32, #tpu.memory_space<hbm>>
      %dma_start3A_603 = arith.constant 0 : i32
      %dma_start3A_604 = tpu.memref_slice %arg4[%add3A_600, %dma_start3A_603] : memref<320000x128xf32, #tpu.memory_space<hbm>> -> memref<32x128xf32, #tpu.memory_space<hbm>>
      tpu.enqueue_dma source(%arg12 : memref<32x128xf32, #tpu.memory_space<vmem>>) target(%dma_start3A_604 : memref<32x128xf32, #tpu.memory_space<hbm>>) target_semaphore(%arg29 : memref<!tpu.dma_semaphore, #tpu.memory_space<semaphore_mem>>)
      %sub3A_605 = arith.constant 4 : i32
      %sub3A_606 = arith.subi %add3A_591, %sub3A_605 : i32
      %mul3A_607 = arith.constant 32 : i32
      %mul3A_608 = arith.muli %sub3A_606, %mul3A_607 : i32
      %add3A_609 = arith.addi %mul3A_2, %mul3A_608 : i32
      %dma_wait3A_610 = arith.constant 0 : i32
      %dma_wait3A_611 = tpu.memref_slice %arg4[%add3A_609, %dma_wait3A_610] : memref<320000x128xf32, #tpu.memory_space<hbm>> -> memref<32x128xf32, #tpu.memory_space<hbm>>
      %dma_wait3A_612 = arith.constant 0 : i32
      %dma_wait3A_613 = tpu.memref_slice %arg4[%add3A_609, %dma_wait3A_612] : memref<320000x128xf32, #tpu.memory_space<hbm>> -> memref<32x128xf32, #tpu.memory_space<hbm>>
      tpu.wait_dma2 semaphore(%arg25 : memref<!tpu.dma_semaphore, #tpu.memory_space<semaphore_mem>>) src(%arg8 : memref<32x128xf32, #tpu.memory_space<vmem>>) dst(%dma_wait3A_613 : memref<32x128xf32, #tpu.memory_space<hbm>>)
      %add3A_614 = arith.constant 4 : i32
      %add3A_615 = arith.addi %add3A_591, %add3A_614 : i32
      %mul3A_616 = arith.constant 32 : i32
      %mul3A_617 = arith.muli %add3A_615, %mul3A_616 : i32
      %dma_start3A_618 = tpu.memref_slice %arg5[%mul3A_617] : memref<10000xi32, #tpu.memory_space<vmem>> -> memref<32xi32, #tpu.memory_space<vmem>>
      %dma_start3A_619 = arith.constant 0 : i32
      %dma_start3A_620 = arith.constant 0 : i32
      %dma_start3A_621 = tpu.memref_slice %arg14[%dma_start3A_619, %dma_start3A_620] : memref<10000x128xf32, #tpu.memory_space<vmem_shared>> -> memref<10000x128xf32, #tpu.memory_space<vmem_shared>>
      tpu.enqueue_indirect_dma source(%dma_start3A_621 : memref<10000x128xf32, #tpu.memory_space<vmem_shared>>) target(%arg8 : memref<32x128xf32, #tpu.memory_space<vmem>>) offsets(%dma_start3A_618 : memref<32xi32, #tpu.memory_space<vmem>>) semaphore(%arg17 : memref<!tpu.dma_semaphore, #tpu.memory_space<semaphore_mem>>)
      %mul3A_622 = arith.constant 8 : i32
      %mul3A_623 = arith.muli %mul3A_622, %scan3A_383 : i32
      %add3A_624 = arith.constant 7 : i32
      %add3A_625 = arith.addi %mul3A_623, %add3A_624 : i32
      %mul3A_626 = arith.constant 32 : i32
      %mul3A_627 = arith.muli %add3A_625, %mul3A_626 : i32
      %dma_wait3A_628 = tpu.memref_slice %arg5[%mul3A_627] : memref<10000xi32, #tpu.memory_space<vmem>> -> memref<32xi32, #tpu.memory_space<vmem>>
      %dma_wait3A_629 = arith.constant 0 : i32
      %dma_wait3A_630 = arith.constant 0 : i32
      %dma_wait3A_631 = tpu.memref_slice %arg14[%dma_wait3A_629, %dma_wait3A_630] : memref<10000x128xf32, #tpu.memory_space<vmem_shared>> -> memref<10000x128xf32, #tpu.memory_space<vmem_shared>>
      tpu.wait_indirect_dma semaphore(%arg22 : memref<!tpu.dma_semaphore, #tpu.memory_space<semaphore_mem>>) src(%dma_wait3A_631 : memref<10000x128xf32, #tpu.memory_space<vmem_shared>>) dst(%arg13 : memref<32x128xf32, #tpu.memory_space<vmem>>)
      %mul3A_632 = arith.constant 32 : i32
      %mul3A_633 = arith.muli %add3A_625, %mul3A_632 : i32
      %add3A_634 = arith.addi %mul3A_2, %mul3A_633 : i32
      %dma_start3A_635 = arith.constant 0 : i32
      %dma_start3A_636 = tpu.memref_slice %arg4[%add3A_634, %dma_start3A_635] : memref<320000x128xf32, #tpu.memory_space<hbm>> -> memref<32x128xf32, #tpu.memory_space<hbm>>
      %dma_start3A_637 = arith.constant 0 : i32
      %dma_start3A_638 = tpu.memref_slice %arg4[%add3A_634, %dma_start3A_637] : memref<320000x128xf32, #tpu.memory_space<hbm>> -> memref<32x128xf32, #tpu.memory_space<hbm>>
      tpu.enqueue_dma source(%arg13 : memref<32x128xf32, #tpu.memory_space<vmem>>) target(%dma_start3A_638 : memref<32x128xf32, #tpu.memory_space<hbm>>) target_semaphore(%arg30 : memref<!tpu.dma_semaphore, #tpu.memory_space<semaphore_mem>>)
      %sub3A_639 = arith.constant 4 : i32
      %sub3A_640 = arith.subi %add3A_625, %sub3A_639 : i32
      %mul3A_641 = arith.constant 32 : i32
      %mul3A_642 = arith.muli %sub3A_640, %mul3A_641 : i32
      %add3A_643 = arith.addi %mul3A_2, %mul3A_642 : i32
      %dma_wait3A_644 = arith.constant 0 : i32
      %dma_wait3A_645 = tpu.memref_slice %arg4[%add3A_643, %dma_wait3A_644] : memref<320000x128xf32, #tpu.memory_space<hbm>> -> memref<32x128xf32, #tpu.memory_space<hbm>>
      %dma_wait3A_646 = arith.constant 0 : i32
      %dma_wait3A_647 = tpu.memref_slice %arg4[%add3A_643, %dma_wait3A_646] : memref<320000x128xf32, #tpu.memory_space<hbm>> -> memref<32x128xf32, #tpu.memory_space<hbm>>
      tpu.wait_dma2 semaphore(%arg26 : memref<!tpu.dma_semaphore, #tpu.memory_space<semaphore_mem>>) src(%arg9 : memref<32x128xf32, #tpu.memory_space<vmem>>) dst(%dma_wait3A_647 : memref<32x128xf32, #tpu.memory_space<hbm>>)
      %add3A_648 = arith.constant 4 : i32
      %add3A_649 = arith.addi %add3A_625, %add3A_648 : i32
      %mul3A_650 = arith.constant 32 : i32
      %mul3A_651 = arith.muli %add3A_649, %mul3A_650 : i32
      %dma_start3A_652 = tpu.memref_slice %arg5[%mul3A_651] : memref<10000xi32, #tpu.memory_space<vmem>> -> memref<32xi32, #tpu.memory_space<vmem>>
      %dma_start3A_653 = arith.constant 0 : i32
      %dma_start3A_654 = arith.constant 0 : i32
      %dma_start3A_655 = tpu.memref_slice %arg14[%dma_start3A_653, %dma_start3A_654] : memref<10000x128xf32, #tpu.memory_space<vmem_shared>> -> memref<10000x128xf32, #tpu.memory_space<vmem_shared>>
      tpu.enqueue_indirect_dma source(%dma_start3A_655 : memref<10000x128xf32, #tpu.memory_space<vmem_shared>>) target(%arg9 : memref<32x128xf32, #tpu.memory_space<vmem>>) offsets(%dma_start3A_652 : memref<32xi32, #tpu.memory_space<vmem>>) semaphore(%arg18 : memref<!tpu.dma_semaphore, #tpu.memory_space<semaphore_mem>>)
      %scan3A_656 = arith.constant 0 : i32
      scf.yield %scan3A_656 : i32
    }
    %scan3A_184 = arith.constant 37 : i32
    %dma_wait3A_185 = arith.constant 9728 : i32
    %dma_wait3A_186 = tpu.memref_slice %arg5[%dma_wait3A_185] : memref<10000xi32, #tpu.memory_space<vmem>> -> memref<32xi32, #tpu.memory_space<vmem>>
    %dma_wait3A_187 = arith.constant 0 : i32
    %dma_wait3A_188 = arith.constant 0 : i32
    %dma_wait3A_189 = tpu.memref_slice %arg14[%dma_wait3A_187, %dma_wait3A_188] : memref<10000x128xf32, #tpu.memory_space<vmem_shared>> -> memref<10000x128xf32, #tpu.memory_space<vmem_shared>>
    tpu.wait_indirect_dma semaphore(%arg15 : memref<!tpu.dma_semaphore, #tpu.memory_space<semaphore_mem>>) src(%dma_wait3A_189 : memref<10000x128xf32, #tpu.memory_space<vmem_shared>>) dst(%arg6 : memref<32x128xf32, #tpu.memory_space<vmem>>)
    %add3A_190 = arith.constant 9728 : i32
    %add3A_191 = arith.addi %mul3A_2, %add3A_190 : i32
    %dma_start3A_192 = arith.constant 0 : i32
    %dma_start3A_193 = tpu.memref_slice %arg4[%add3A_191, %dma_start3A_192] : memref<320000x128xf32, #tpu.memory_space<hbm>> -> memref<32x128xf32, #tpu.memory_space<hbm>>
    %dma_start3A_194 = arith.constant 0 : i32
    %dma_start3A_195 = tpu.memref_slice %arg4[%add3A_191, %dma_start3A_194] : memref<320000x128xf32, #tpu.memory_space<hbm>> -> memref<32x128xf32, #tpu.memory_space<hbm>>
    tpu.enqueue_dma source(%arg6 : memref<32x128xf32, #tpu.memory_space<vmem>>) target(%dma_start3A_195 : memref<32x128xf32, #tpu.memory_space<hbm>>) target_semaphore(%arg23 : memref<!tpu.dma_semaphore, #tpu.memory_space<semaphore_mem>>)
    %add3A_196 = arith.constant 9600 : i32
    %add3A_197 = arith.addi %mul3A_2, %add3A_196 : i32
    %dma_wait3A_198 = arith.constant 0 : i32
    %dma_wait3A_199 = tpu.memref_slice %arg4[%add3A_197, %dma_wait3A_198] : memref<320000x128xf32, #tpu.memory_space<hbm>> -> memref<32x128xf32, #tpu.memory_space<hbm>>
    %dma_wait3A_200 = arith.constant 0 : i32
    %dma_wait3A_201 = tpu.memref_slice %arg4[%add3A_197, %dma_wait3A_200] : memref<320000x128xf32, #tpu.memory_space<hbm>> -> memref<32x128xf32, #tpu.memory_space<hbm>>
    tpu.wait_dma2 semaphore(%arg27 : memref<!tpu.dma_semaphore, #tpu.memory_space<semaphore_mem>>) src(%arg10 : memref<32x128xf32, #tpu.memory_space<vmem>>) dst(%dma_wait3A_201 : memref<32x128xf32, #tpu.memory_space<hbm>>)
    %dma_start3A_202 = arith.constant 9856 : i32
    %dma_start3A_203 = tpu.memref_slice %arg5[%dma_start3A_202] : memref<10000xi32, #tpu.memory_space<vmem>> -> memref<32xi32, #tpu.memory_space<vmem>>
    %dma_start3A_204 = arith.constant 0 : i32
    %dma_start3A_205 = arith.constant 0 : i32
    %dma_start3A_206 = tpu.memref_slice %arg14[%dma_start3A_204, %dma_start3A_205] : memref<10000x128xf32, #tpu.memory_space<vmem_shared>> -> memref<10000x128xf32, #tpu.memory_space<vmem_shared>>
    tpu.enqueue_indirect_dma source(%dma_start3A_206 : memref<10000x128xf32, #tpu.memory_space<vmem_shared>>) target(%arg10 : memref<32x128xf32, #tpu.memory_space<vmem>>) offsets(%dma_start3A_203 : memref<32xi32, #tpu.memory_space<vmem>>) semaphore(%arg19 : memref<!tpu.dma_semaphore, #tpu.memory_space<semaphore_mem>>)
    %dma_wait3A_207 = arith.constant 9760 : i32
    %dma_wait3A_208 = tpu.memref_slice %arg5[%dma_wait3A_207] : memref<10000xi32, #tpu.memory_space<vmem>> -> memref<32xi32, #tpu.memory_space<vmem>>
    %dma_wait3A_209 = arith.constant 0 : i32
    %dma_wait3A_210 = arith.constant 0 : i32
    %dma_wait3A_211 = tpu.memref_slice %arg14[%dma_wait3A_209, %dma_wait3A_210] : memref<10000x128xf32, #tpu.memory_space<vmem_shared>> -> memref<10000x128xf32, #tpu.memory_space<vmem_shared>>
    tpu.wait_indirect_dma semaphore(%arg16 : memref<!tpu.dma_semaphore, #tpu.memory_space<semaphore_mem>>) src(%dma_wait3A_211 : memref<10000x128xf32, #tpu.memory_space<vmem_shared>>) dst(%arg7 : memref<32x128xf32, #tpu.memory_space<vmem>>)
    %add3A_212 = arith.constant 9760 : i32
    %add3A_213 = arith.addi %mul3A_2, %add3A_212 : i32
    %dma_start3A_214 = arith.constant 0 : i32
    %dma_start3A_215 = tpu.memref_slice %arg4[%add3A_213, %dma_start3A_214] : memref<320000x128xf32, #tpu.memory_space<hbm>> -> memref<32x128xf32, #tpu.memory_space<hbm>>
    %dma_start3A_216 = arith.constant 0 : i32
    %dma_start3A_217 = tpu.memref_slice %arg4[%add3A_213, %dma_start3A_216] : memref<320000x128xf32, #tpu.memory_space<hbm>> -> memref<32x128xf32, #tpu.memory_space<hbm>>
    tpu.enqueue_dma source(%arg7 : memref<32x128xf32, #tpu.memory_space<vmem>>) target(%dma_start3A_217 : memref<32x128xf32, #tpu.memory_space<hbm>>) target_semaphore(%arg24 : memref<!tpu.dma_semaphore, #tpu.memory_space<semaphore_mem>>)
    %add3A_218 = arith.constant 9632 : i32
    %add3A_219 = arith.addi %mul3A_2, %add3A_218 : i32
    %dma_wait3A_220 = arith.constant 0 : i32
    %dma_wait3A_221 = tpu.memref_slice %arg4[%add3A_219, %dma_wait3A_220] : memref<320000x128xf32, #tpu.memory_space<hbm>> -> memref<32x128xf32, #tpu.memory_space<hbm>>
    %dma_wait3A_222 = arith.constant 0 : i32
    %dma_wait3A_223 = tpu.memref_slice %arg4[%add3A_219, %dma_wait3A_222] : memref<320000x128xf32, #tpu.memory_space<hbm>> -> memref<32x128xf32, #tpu.memory_space<hbm>>
    tpu.wait_dma2 semaphore(%arg28 : memref<!tpu.dma_semaphore, #tpu.memory_space<semaphore_mem>>) src(%arg11 : memref<32x128xf32, #tpu.memory_space<vmem>>) dst(%dma_wait3A_223 : memref<32x128xf32, #tpu.memory_space<hbm>>)
    %dma_start3A_224 = arith.constant 9888 : i32
    %dma_start3A_225 = tpu.memref_slice %arg5[%dma_start3A_224] : memref<10000xi32, #tpu.memory_space<vmem>> -> memref<32xi32, #tpu.memory_space<vmem>>
    %dma_start3A_226 = arith.constant 0 : i32
    %dma_start3A_227 = arith.constant 0 : i32
    %dma_start3A_228 = tpu.memref_slice %arg14[%dma_start3A_226, %dma_start3A_227] : memref<10000x128xf32, #tpu.memory_space<vmem_shared>> -> memref<10000x128xf32, #tpu.memory_space<vmem_shared>>
    tpu.enqueue_indirect_dma source(%dma_start3A_228 : memref<10000x128xf32, #tpu.memory_space<vmem_shared>>) target(%arg11 : memref<32x128xf32, #tpu.memory_space<vmem>>) offsets(%dma_start3A_225 : memref<32xi32, #tpu.memory_space<vmem>>) semaphore(%arg20 : memref<!tpu.dma_semaphore, #tpu.memory_space<semaphore_mem>>)
    %dma_wait3A_229 = arith.constant 9792 : i32
    %dma_wait3A_230 = tpu.memref_slice %arg5[%dma_wait3A_229] : memref<10000xi32, #tpu.memory_space<vmem>> -> memref<32xi32, #tpu.memory_space<vmem>>
    %dma_wait3A_231 = arith.constant 0 : i32
    %dma_wait3A_232 = arith.constant 0 : i32
    %dma_wait3A_233 = tpu.memref_slice %arg14[%dma_wait3A_231, %dma_wait3A_232] : memref<10000x128xf32, #tpu.memory_space<vmem_shared>> -> memref<10000x128xf32, #tpu.memory_space<vmem_shared>>
    tpu.wait_indirect_dma semaphore(%arg17 : memref<!tpu.dma_semaphore, #tpu.memory_space<semaphore_mem>>) src(%dma_wait3A_233 : memref<10000x128xf32, #tpu.memory_space<vmem_shared>>) dst(%arg8 : memref<32x128xf32, #tpu.memory_space<vmem>>)
    %add3A_234 = arith.constant 9792 : i32
    %add3A_235 = arith.addi %mul3A_2, %add3A_234 : i32
    %dma_start3A_236 = arith.constant 0 : i32
    %dma_start3A_237 = tpu.memref_slice %arg4[%add3A_235, %dma_start3A_236] : memref<320000x128xf32, #tpu.memory_space<hbm>> -> memref<32x128xf32, #tpu.memory_space<hbm>>
    %dma_start3A_238 = arith.constant 0 : i32
    %dma_start3A_239 = tpu.memref_slice %arg4[%add3A_235, %dma_start3A_238] : memref<320000x128xf32, #tpu.memory_space<hbm>> -> memref<32x128xf32, #tpu.memory_space<hbm>>
    tpu.enqueue_dma source(%arg8 : memref<32x128xf32, #tpu.memory_space<vmem>>) target(%dma_start3A_239 : memref<32x128xf32, #tpu.memory_space<hbm>>) target_semaphore(%arg25 : memref<!tpu.dma_semaphore, #tpu.memory_space<semaphore_mem>>)
    %add3A_240 = arith.constant 9664 : i32
    %add3A_241 = arith.addi %mul3A_2, %add3A_240 : i32
    %dma_wait3A_242 = arith.constant 0 : i32
    %dma_wait3A_243 = tpu.memref_slice %arg4[%add3A_241, %dma_wait3A_242] : memref<320000x128xf32, #tpu.memory_space<hbm>> -> memref<32x128xf32, #tpu.memory_space<hbm>>
    %dma_wait3A_244 = arith.constant 0 : i32
    %dma_wait3A_245 = tpu.memref_slice %arg4[%add3A_241, %dma_wait3A_244] : memref<320000x128xf32, #tpu.memory_space<hbm>> -> memref<32x128xf32, #tpu.memory_space<hbm>>
    tpu.wait_dma2 semaphore(%arg29 : memref<!tpu.dma_semaphore, #tpu.memory_space<semaphore_mem>>) src(%arg12 : memref<32x128xf32, #tpu.memory_space<vmem>>) dst(%dma_wait3A_245 : memref<32x128xf32, #tpu.memory_space<hbm>>)
    %dma_start3A_246 = arith.constant 9920 : i32
    %dma_start3A_247 = tpu.memref_slice %arg5[%dma_start3A_246] : memref<10000xi32, #tpu.memory_space<vmem>> -> memref<32xi32, #tpu.memory_space<vmem>>
    %dma_start3A_248 = arith.constant 0 : i32
    %dma_start3A_249 = arith.constant 0 : i32
    %dma_start3A_250 = tpu.memref_slice %arg14[%dma_start3A_248, %dma_start3A_249] : memref<10000x128xf32, #tpu.memory_space<vmem_shared>> -> memref<10000x128xf32, #tpu.memory_space<vmem_shared>>
    tpu.enqueue_indirect_dma source(%dma_start3A_250 : memref<10000x128xf32, #tpu.memory_space<vmem_shared>>) target(%arg12 : memref<32x128xf32, #tpu.memory_space<vmem>>) offsets(%dma_start3A_247 : memref<32xi32, #tpu.memory_space<vmem>>) semaphore(%arg21 : memref<!tpu.dma_semaphore, #tpu.memory_space<semaphore_mem>>)
    %dma_wait3A_251 = arith.constant 9824 : i32
    %dma_wait3A_252 = tpu.memref_slice %arg5[%dma_wait3A_251] : memref<10000xi32, #tpu.memory_space<vmem>> -> memref<32xi32, #tpu.memory_space<vmem>>
    %dma_wait3A_253 = arith.constant 0 : i32
    %dma_wait3A_254 = arith.constant 0 : i32
    %dma_wait3A_255 = tpu.memref_slice %arg14[%dma_wait3A_253, %dma_wait3A_254] : memref<10000x128xf32, #tpu.memory_space<vmem_shared>> -> memref<10000x128xf32, #tpu.memory_space<vmem_shared>>
    tpu.wait_indirect_dma semaphore(%arg18 : memref<!tpu.dma_semaphore, #tpu.memory_space<semaphore_mem>>) src(%dma_wait3A_255 : memref<10000x128xf32, #tpu.memory_space<vmem_shared>>) dst(%arg9 : memref<32x128xf32, #tpu.memory_space<vmem>>)
    %add3A_256 = arith.constant 9824 : i32
    %add3A_257 = arith.addi %mul3A_2, %add3A_256 : i32
    %dma_start3A_258 = arith.constant 0 : i32
    %dma_start3A_259 = tpu.memref_slice %arg4[%add3A_257, %dma_start3A_258] : memref<320000x128xf32, #tpu.memory_space<hbm>> -> memref<32x128xf32, #tpu.memory_space<hbm>>
    %dma_start3A_260 = arith.constant 0 : i32
    %dma_start3A_261 = tpu.memref_slice %arg4[%add3A_257, %dma_start3A_260] : memref<320000x128xf32, #tpu.memory_space<hbm>> -> memref<32x128xf32, #tpu.memory_space<hbm>>
    tpu.enqueue_dma source(%arg9 : memref<32x128xf32, #tpu.memory_space<vmem>>) target(%dma_start3A_261 : memref<32x128xf32, #tpu.memory_space<hbm>>) target_semaphore(%arg26 : memref<!tpu.dma_semaphore, #tpu.memory_space<semaphore_mem>>)
    %add3A_262 = arith.constant 9696 : i32
    %add3A_263 = arith.addi %mul3A_2, %add3A_262 : i32
    %dma_wait3A_264 = arith.constant 0 : i32
    %dma_wait3A_265 = tpu.memref_slice %arg4[%add3A_263, %dma_wait3A_264] : memref<320000x128xf32, #tpu.memory_space<hbm>> -> memref<32x128xf32, #tpu.memory_space<hbm>>
    %dma_wait3A_266 = arith.constant 0 : i32
    %dma_wait3A_267 = tpu.memref_slice %arg4[%add3A_263, %dma_wait3A_266] : memref<320000x128xf32, #tpu.memory_space<hbm>> -> memref<32x128xf32, #tpu.memory_space<hbm>>
    tpu.wait_dma2 semaphore(%arg30 : memref<!tpu.dma_semaphore, #tpu.memory_space<semaphore_mem>>) src(%arg13 : memref<32x128xf32, #tpu.memory_space<vmem>>) dst(%dma_wait3A_267 : memref<32x128xf32, #tpu.memory_space<hbm>>)
    %dma_start3A_268 = arith.constant 9952 : i32
    %dma_start3A_269 = tpu.memref_slice %arg5[%dma_start3A_268] : memref<10000xi32, #tpu.memory_space<vmem>> -> memref<32xi32, #tpu.memory_space<vmem>>
    %dma_start3A_270 = arith.constant 0 : i32
    %dma_start3A_271 = arith.constant 0 : i32
    %dma_start3A_272 = tpu.memref_slice %arg14[%dma_start3A_270, %dma_start3A_271] : memref<10000x128xf32, #tpu.memory_space<vmem_shared>> -> memref<10000x128xf32, #tpu.memory_space<vmem_shared>>
    tpu.enqueue_indirect_dma source(%dma_start3A_272 : memref<10000x128xf32, #tpu.memory_space<vmem_shared>>) target(%arg13 : memref<32x128xf32, #tpu.memory_space<vmem>>) offsets(%dma_start3A_269 : memref<32xi32, #tpu.memory_space<vmem>>) semaphore(%arg22 : memref<!tpu.dma_semaphore, #tpu.memory_space<semaphore_mem>>)
    %dma_wait3A_273 = arith.constant 9856 : i32
    %dma_wait3A_274 = tpu.memref_slice %arg5[%dma_wait3A_273] : memref<10000xi32, #tpu.memory_space<vmem>> -> memref<32xi32, #tpu.memory_space<vmem>>
    %dma_wait3A_275 = arith.constant 0 : i32
    %dma_wait3A_276 = arith.constant 0 : i32
    %dma_wait3A_277 = tpu.memref_slice %arg14[%dma_wait3A_275, %dma_wait3A_276] : memref<10000x128xf32, #tpu.memory_space<vmem_shared>> -> memref<10000x128xf32, #tpu.memory_space<vmem_shared>>
    tpu.wait_indirect_dma semaphore(%arg19 : memref<!tpu.dma_semaphore, #tpu.memory_space<semaphore_mem>>) src(%dma_wait3A_277 : memref<10000x128xf32, #tpu.memory_space<vmem_shared>>) dst(%arg10 : memref<32x128xf32, #tpu.memory_space<vmem>>)
    %add3A_278 = arith.constant 9856 : i32
    %add3A_279 = arith.addi %mul3A_2, %add3A_278 : i32
    %dma_start3A_280 = arith.constant 0 : i32
    %dma_start3A_281 = tpu.memref_slice %arg4[%add3A_279, %dma_start3A_280] : memref<320000x128xf32, #tpu.memory_space<hbm>> -> memref<32x128xf32, #tpu.memory_space<hbm>>
    %dma_start3A_282 = arith.constant 0 : i32
    %dma_start3A_283 = tpu.memref_slice %arg4[%add3A_279, %dma_start3A_282] : memref<320000x128xf32, #tpu.memory_space<hbm>> -> memref<32x128xf32, #tpu.memory_space<hbm>>
    tpu.enqueue_dma source(%arg10 : memref<32x128xf32, #tpu.memory_space<vmem>>) target(%dma_start3A_283 : memref<32x128xf32, #tpu.memory_space<hbm>>) target_semaphore(%arg27 : memref<!tpu.dma_semaphore, #tpu.memory_space<semaphore_mem>>)
    %dma_wait3A_284 = arith.constant 9888 : i32
    %dma_wait3A_285 = tpu.memref_slice %arg5[%dma_wait3A_284] : memref<10000xi32, #tpu.memory_space<vmem>> -> memref<32xi32, #tpu.memory_space<vmem>>
    %dma_wait3A_286 = arith.constant 0 : i32
    %dma_wait3A_287 = arith.constant 0 : i32
    %dma_wait3A_288 = tpu.memref_slice %arg14[%dma_wait3A_286, %dma_wait3A_287] : memref<10000x128xf32, #tpu.memory_space<vmem_shared>> -> memref<10000x128xf32, #tpu.memory_space<vmem_shared>>
    tpu.wait_indirect_dma semaphore(%arg20 : memref<!tpu.dma_semaphore, #tpu.memory_space<semaphore_mem>>) src(%dma_wait3A_288 : memref<10000x128xf32, #tpu.memory_space<vmem_shared>>) dst(%arg11 : memref<32x128xf32, #tpu.memory_space<vmem>>)
    %add3A_289 = arith.constant 9888 : i32
    %add3A_290 = arith.addi %mul3A_2, %add3A_289 : i32
    %dma_start3A_291 = arith.constant 0 : i32
    %dma_start3A_292 = tpu.memref_slice %arg4[%add3A_290, %dma_start3A_291] : memref<320000x128xf32, #tpu.memory_space<hbm>> -> memref<32x128xf32, #tpu.memory_space<hbm>>
    %dma_start3A_293 = arith.constant 0 : i32
    %dma_start3A_294 = tpu.memref_slice %arg4[%add3A_290, %dma_start3A_293] : memref<320000x128xf32, #tpu.memory_space<hbm>> -> memref<32x128xf32, #tpu.memory_space<hbm>>
    tpu.enqueue_dma source(%arg11 : memref<32x128xf32, #tpu.memory_space<vmem>>) target(%dma_start3A_294 : memref<32x128xf32, #tpu.memory_space<hbm>>) target_semaphore(%arg28 : memref<!tpu.dma_semaphore, #tpu.memory_space<semaphore_mem>>)
    %dma_wait3A_295 = arith.constant 9920 : i32
    %dma_wait3A_296 = tpu.memref_slice %arg5[%dma_wait3A_295] : memref<10000xi32, #tpu.memory_space<vmem>> -> memref<32xi32, #tpu.memory_space<vmem>>
    %dma_wait3A_297 = arith.constant 0 : i32
    %dma_wait3A_298 = arith.constant 0 : i32
    %dma_wait3A_299 = tpu.memref_slice %arg14[%dma_wait3A_297, %dma_wait3A_298] : memref<10000x128xf32, #tpu.memory_space<vmem_shared>> -> memref<10000x128xf32, #tpu.memory_space<vmem_shared>>
    tpu.wait_indirect_dma semaphore(%arg21 : memref<!tpu.dma_semaphore, #tpu.memory_space<semaphore_mem>>) src(%dma_wait3A_299 : memref<10000x128xf32, #tpu.memory_space<vmem_shared>>) dst(%arg12 : memref<32x128xf32, #tpu.memory_space<vmem>>)
    %add3A_300 = arith.constant 9920 : i32
    %add3A_301 = arith.addi %mul3A_2, %add3A_300 : i32
    %dma_start3A_302 = arith.constant 0 : i32
    %dma_start3A_303 = tpu.memref_slice %arg4[%add3A_301, %dma_start3A_302] : memref<320000x128xf32, #tpu.memory_space<hbm>> -> memref<32x128xf32, #tpu.memory_space<hbm>>
    %dma_start3A_304 = arith.constant 0 : i32
    %dma_start3A_305 = tpu.memref_slice %arg4[%add3A_301, %dma_start3A_304] : memref<320000x128xf32, #tpu.memory_space<hbm>> -> memref<32x128xf32, #tpu.memory_space<hbm>>
    tpu.enqueue_dma source(%arg12 : memref<32x128xf32, #tpu.memory_space<vmem>>) target(%dma_start3A_305 : memref<32x128xf32, #tpu.memory_space<hbm>>) target_semaphore(%arg29 : memref<!tpu.dma_semaphore, #tpu.memory_space<semaphore_mem>>)
    %dma_wait3A_306 = arith.constant 9952 : i32
    %dma_wait3A_307 = tpu.memref_slice %arg5[%dma_wait3A_306] : memref<10000xi32, #tpu.memory_space<vmem>> -> memref<32xi32, #tpu.memory_space<vmem>>
    %dma_wait3A_308 = arith.constant 0 : i32
    %dma_wait3A_309 = arith.constant 0 : i32
    %dma_wait3A_310 = tpu.memref_slice %arg14[%dma_wait3A_308, %dma_wait3A_309] : memref<10000x128xf32, #tpu.memory_space<vmem_shared>> -> memref<10000x128xf32, #tpu.memory_space<vmem_shared>>
    tpu.wait_indirect_dma semaphore(%arg22 : memref<!tpu.dma_semaphore, #tpu.memory_space<semaphore_mem>>) src(%dma_wait3A_310 : memref<10000x128xf32, #tpu.memory_space<vmem_shared>>) dst(%arg13 : memref<32x128xf32, #tpu.memory_space<vmem>>)
    %add3A_311 = arith.constant 9952 : i32
    %add3A_312 = arith.addi %mul3A_2, %add3A_311 : i32
    %dma_start3A_313 = arith.constant 0 : i32
    %dma_start3A_314 = tpu.memref_slice %arg4[%add3A_312, %dma_start3A_313] : memref<320000x128xf32, #tpu.memory_space<hbm>> -> memref<32x128xf32, #tpu.memory_space<hbm>>
    %dma_start3A_315 = arith.constant 0 : i32
    %dma_start3A_316 = tpu.memref_slice %arg4[%add3A_312, %dma_start3A_315] : memref<320000x128xf32, #tpu.memory_space<hbm>> -> memref<32x128xf32, #tpu.memory_space<hbm>>
    tpu.enqueue_dma source(%arg13 : memref<32x128xf32, #tpu.memory_space<vmem>>) target(%dma_start3A_316 : memref<32x128xf32, #tpu.memory_space<hbm>>) target_semaphore(%arg30 : memref<!tpu.dma_semaphore, #tpu.memory_space<semaphore_mem>>)
    %add3A_317 = arith.constant 9728 : i32
    %add3A_318 = arith.addi %mul3A_2, %add3A_317 : i32
    %dma_wait3A_319 = arith.constant 0 : i32
    %dma_wait3A_320 = tpu.memref_slice %arg4[%add3A_318, %dma_wait3A_319] : memref<320000x128xf32, #tpu.memory_space<hbm>> -> memref<32x128xf32, #tpu.memory_space<hbm>>
    %dma_wait3A_321 = arith.constant 0 : i32
    %dma_wait3A_322 = tpu.memref_slice %arg4[%add3A_318, %dma_wait3A_321] : memref<320000x128xf32, #tpu.memory_space<hbm>> -> memref<32x128xf32, #tpu.memory_space<hbm>>
    tpu.wait_dma2 semaphore(%arg23 : memref<!tpu.dma_semaphore, #tpu.memory_space<semaphore_mem>>) src(%arg6 : memref<32x128xf32, #tpu.memory_space<vmem>>) dst(%dma_wait3A_322 : memref<32x128xf32, #tpu.memory_space<hbm>>)
    %add3A_323 = arith.constant 9984 : i32
    %add3A_324 = arith.addi %mul3A_2, %add3A_323 : i32
    %dma_start3A_325 = arith.constant 0 : i32
    %dma_start3A_326 = arith.constant 0 : i32
    %dma_start3A_327 = tpu.memref_slice %arg6[%dma_start3A_325, %dma_start3A_326] : memref<32x128xf32, #tpu.memory_space<vmem>> -> memref<16x128xf32, #tpu.memory_space<vmem>>
    %dma_start3A_328 = arith.constant 9984 : i32
    %dma_start3A_329 = tpu.memref_slice %arg5[%dma_start3A_328] : memref<10000xi32, #tpu.memory_space<vmem>> -> memref<16xi32, #tpu.memory_space<vmem>>
    %dma_start3A_330 = arith.constant 0 : i32
    %dma_start3A_331 = arith.constant 0 : i32
    %dma_start3A_332 = tpu.memref_slice %arg14[%dma_start3A_330, %dma_start3A_331] : memref<10000x128xf32, #tpu.memory_space<vmem_shared>> -> memref<10000x128xf32, #tpu.memory_space<vmem_shared>>
    tpu.enqueue_indirect_dma source(%dma_start3A_332 : memref<10000x128xf32, #tpu.memory_space<vmem_shared>>) target(%dma_start3A_327 : memref<16x128xf32, #tpu.memory_space<vmem>>) offsets(%dma_start3A_329 : memref<16xi32, #tpu.memory_space<vmem>>) semaphore(%arg15 : memref<!tpu.dma_semaphore, #tpu.memory_space<semaphore_mem>>)
    %dma_wait3A_333 = arith.constant 0 : i32
    %dma_wait3A_334 = arith.constant 0 : i32
    %dma_wait3A_335 = tpu.memref_slice %arg6[%dma_wait3A_333, %dma_wait3A_334] : memref<32x128xf32, #tpu.memory_space<vmem>> -> memref<16x128xf32, #tpu.memory_space<vmem>>
    %dma_wait3A_336 = arith.constant 9984 : i32
    %dma_wait3A_337 = tpu.memref_slice %arg5[%dma_wait3A_336] : memref<10000xi32, #tpu.memory_space<vmem>> -> memref<16xi32, #tpu.memory_space<vmem>>
    %dma_wait3A_338 = arith.constant 0 : i32
    %dma_wait3A_339 = arith.constant 0 : i32
    %dma_wait3A_340 = tpu.memref_slice %arg14[%dma_wait3A_338, %dma_wait3A_339] : memref<10000x128xf32, #tpu.memory_space<vmem_shared>> -> memref<10000x128xf32, #tpu.memory_space<vmem_shared>>
    tpu.wait_indirect_dma semaphore(%arg15 : memref<!tpu.dma_semaphore, #tpu.memory_space<semaphore_mem>>) src(%dma_wait3A_340 : memref<10000x128xf32, #tpu.memory_space<vmem_shared>>) dst(%dma_wait3A_335 : memref<16x128xf32, #tpu.memory_space<vmem>>)
    "tpu.region"() ({
      %run_scoped3A = tpu.sem_alloc : memref<!tpu.dma_semaphore, #tpu.memory_space<semaphore_mem>>
      %dma_start3A_383 = arith.constant 0 : i32
      %dma_start3A_384 = arith.constant 0 : i32
      %dma_start3A_385 = tpu.memref_slice %arg6[%dma_start3A_383, %dma_start3A_384] : memref<32x128xf32, #tpu.memory_space<vmem>> -> memref<16x128xf32, #tpu.memory_space<vmem>>
      %dma_start3A_386 = arith.constant 0 : i32
      %dma_start3A_387 = tpu.memref_slice %arg4[%add3A_324, %dma_start3A_386] : memref<320000x128xf32, #tpu.memory_space<hbm>> -> memref<16x128xf32, #tpu.memory_space<hbm>>
      %dma_start3A_388 = arith.constant 0 : i32
      %dma_start3A_389 = tpu.memref_slice %arg4[%add3A_324, %dma_start3A_388] : memref<320000x128xf32, #tpu.memory_space<hbm>> -> memref<16x128xf32, #tpu.memory_space<hbm>>
      %dma_start3A_390 = arith.constant 0 : i32
      %dma_start3A_391 = arith.constant 0 : i32
      %dma_start3A_392 = tpu.memref_slice %arg6[%dma_start3A_390, %dma_start3A_391] : memref<32x128xf32, #tpu.memory_space<vmem>> -> memref<16x128xf32, #tpu.memory_space<vmem>>
      tpu.enqueue_dma source(%dma_start3A_392 : memref<16x128xf32, #tpu.memory_space<vmem>>) target(%dma_start3A_389 : memref<16x128xf32, #tpu.memory_space<hbm>>) target_semaphore(%run_scoped3A : memref<!tpu.dma_semaphore, #tpu.memory_space<semaphore_mem>>)
      %dma_wait3A_393 = arith.constant 0 : i32
      %dma_wait3A_394 = arith.constant 0 : i32
      %dma_wait3A_395 = tpu.memref_slice %arg6[%dma_wait3A_393, %dma_wait3A_394] : memref<32x128xf32, #tpu.memory_space<vmem>> -> memref<16x128xf32, #tpu.memory_space<vmem>>
      %dma_wait3A_396 = arith.constant 0 : i32
      %dma_wait3A_397 = tpu.memref_slice %arg4[%add3A_324, %dma_wait3A_396] : memref<320000x128xf32, #tpu.memory_space<hbm>> -> memref<16x128xf32, #tpu.memory_space<hbm>>
      %dma_wait3A_398 = arith.constant 0 : i32
      %dma_wait3A_399 = tpu.memref_slice %arg4[%add3A_324, %dma_wait3A_398] : memref<320000x128xf32, #tpu.memory_space<hbm>> -> memref<16x128xf32, #tpu.memory_space<hbm>>
      %dma_wait3A_400 = arith.constant 0 : i32
      %dma_wait3A_401 = arith.constant 0 : i32
      %dma_wait3A_402 = tpu.memref_slice %arg6[%dma_wait3A_400, %dma_wait3A_401] : memref<32x128xf32, #tpu.memory_space<vmem>> -> memref<16x128xf32, #tpu.memory_space<vmem>>
      tpu.wait_dma2 semaphore(%run_scoped3A : memref<!tpu.dma_semaphore, #tpu.memory_space<semaphore_mem>>) src(%dma_wait3A_402 : memref<16x128xf32, #tpu.memory_space<vmem>>) dst(%dma_wait3A_399 : memref<16x128xf32, #tpu.memory_space<hbm>>)
      tpu.yield
    }) : () -> ()
    %add3A_341 = arith.constant 9760 : i32
    %add3A_342 = arith.addi %mul3A_2, %add3A_341 : i32
    %dma_wait3A_343 = arith.constant 0 : i32
    %dma_wait3A_344 = tpu.memref_slice %arg4[%add3A_342, %dma_wait3A_343] : memref<320000x128xf32, #tpu.memory_space<hbm>> -> memref<32x128xf32, #tpu.memory_space<hbm>>
    %dma_wait3A_345 = arith.constant 0 : i32
    %dma_wait3A_346 = tpu.memref_slice %arg4[%add3A_342, %dma_wait3A_345] : memref<320000x128xf32, #tpu.memory_space<hbm>> -> memref<32x128xf32, #tpu.memory_space<hbm>>
    tpu.wait_dma2 semaphore(%arg24 : memref<!tpu.dma_semaphore, #tpu.memory_space<semaphore_mem>>) src(%arg7 : memref<32x128xf32, #tpu.memory_space<vmem>>) dst(%dma_wait3A_346 : memref<32x128xf32, #tpu.memory_space<hbm>>)
    %add3A_347 = arith.constant 9792 : i32
    %add3A_348 = arith.addi %mul3A_2, %add3A_347 : i32
    %dma_wait3A_349 = arith.constant 0 : i32
    %dma_wait3A_350 = tpu.memref_slice %arg4[%add3A_348, %dma_wait3A_349] : memref<320000x128xf32, #tpu.memory_space<hbm>> -> memref<32x128xf32, #tpu.memory_space<hbm>>
    %dma_wait3A_351 = arith.constant 0 : i32
    %dma_wait3A_352 = tpu.memref_slice %arg4[%add3A_348, %dma_wait3A_351] : memref<320000x128xf32, #tpu.memory_space<hbm>> -> memref<32x128xf32, #tpu.memory_space<hbm>>
    tpu.wait_dma2 semaphore(%arg25 : memref<!tpu.dma_semaphore, #tpu.memory_space<semaphore_mem>>) src(%arg8 : memref<32x128xf32, #tpu.memory_space<vmem>>) dst(%dma_wait3A_352 : memref<32x128xf32, #tpu.memory_space<hbm>>)
    %add3A_353 = arith.constant 9824 : i32
    %add3A_354 = arith.addi %mul3A_2, %add3A_353 : i32
    %dma_wait3A_355 = arith.constant 0 : i32
    %dma_wait3A_356 = tpu.memref_slice %arg4[%add3A_354, %dma_wait3A_355] : memref<320000x128xf32, #tpu.memory_space<hbm>> -> memref<32x128xf32, #tpu.memory_space<hbm>>
    %dma_wait3A_357 = arith.constant 0 : i32
    %dma_wait3A_358 = tpu.memref_slice %arg4[%add3A_354, %dma_wait3A_357] : memref<320000x128xf32, #tpu.memory_space<hbm>> -> memref<32x128xf32, #tpu.memory_space<hbm>>
    tpu.wait_dma2 semaphore(%arg26 : memref<!tpu.dma_semaphore, #tpu.memory_space<semaphore_mem>>) src(%arg9 : memref<32x128xf32, #tpu.memory_space<vmem>>) dst(%dma_wait3A_358 : memref<32x128xf32, #tpu.memory_space<hbm>>)
    %add3A_359 = arith.constant 9856 : i32
    %add3A_360 = arith.addi %mul3A_2, %add3A_359 : i32
    %dma_wait3A_361 = arith.constant 0 : i32
    %dma_wait3A_362 = tpu.memref_slice %arg4[%add3A_360, %dma_wait3A_361] : memref<320000x128xf32, #tpu.memory_space<hbm>> -> memref<32x128xf32, #tpu.memory_space<hbm>>
    %dma_wait3A_363 = arith.constant 0 : i32
    %dma_wait3A_364 = tpu.memref_slice %arg4[%add3A_360, %dma_wait3A_363] : memref<320000x128xf32, #tpu.memory_space<hbm>> -> memref<32x128xf32, #tpu.memory_space<hbm>>
    tpu.wait_dma2 semaphore(%arg27 : memref<!tpu.dma_semaphore, #tpu.memory_space<semaphore_mem>>) src(%arg10 : memref<32x128xf32, #tpu.memory_space<vmem>>) dst(%dma_wait3A_364 : memref<32x128xf32, #tpu.memory_space<hbm>>)
    %add3A_365 = arith.constant 9888 : i32
    %add3A_366 = arith.addi %mul3A_2, %add3A_365 : i32
    %dma_wait3A_367 = arith.constant 0 : i32
    %dma_wait3A_368 = tpu.memref_slice %arg4[%add3A_366, %dma_wait3A_367] : memref<320000x128xf32, #tpu.memory_space<hbm>> -> memref<32x128xf32, #tpu.memory_space<hbm>>
    %dma_wait3A_369 = arith.constant 0 : i32
    %dma_wait3A_370 = tpu.memref_slice %arg4[%add3A_366, %dma_wait3A_369] : memref<320000x128xf32, #tpu.memory_space<hbm>> -> memref<32x128xf32, #tpu.memory_space<hbm>>
    tpu.wait_dma2 semaphore(%arg28 : memref<!tpu.dma_semaphore, #tpu.memory_space<semaphore_mem>>) src(%arg11 : memref<32x128xf32, #tpu.memory_space<vmem>>) dst(%dma_wait3A_370 : memref<32x128xf32, #tpu.memory_space<hbm>>)
    %add3A_371 = arith.constant 9920 : i32
    %add3A_372 = arith.addi %mul3A_2, %add3A_371 : i32
    %dma_wait3A_373 = arith.constant 0 : i32
    %dma_wait3A_374 = tpu.memref_slice %arg4[%add3A_372, %dma_wait3A_373] : memref<320000x128xf32, #tpu.memory_space<hbm>> -> memref<32x128xf32, #tpu.memory_space<hbm>>
    %dma_wait3A_375 = arith.constant 0 : i32
    %dma_wait3A_376 = tpu.memref_slice %arg4[%add3A_372, %dma_wait3A_375] : memref<320000x128xf32, #tpu.memory_space<hbm>> -> memref<32x128xf32, #tpu.memory_space<hbm>>
    tpu.wait_dma2 semaphore(%arg29 : memref<!tpu.dma_semaphore, #tpu.memory_space<semaphore_mem>>) src(%arg12 : memref<32x128xf32, #tpu.memory_space<vmem>>) dst(%dma_wait3A_376 : memref<32x128xf32, #tpu.memory_space<hbm>>)
    %add3A_377 = arith.constant 9952 : i32
    %add3A_378 = arith.addi %mul3A_2, %add3A_377 : i32
    %dma_wait3A_379 = arith.constant 0 : i32
    %dma_wait3A_380 = tpu.memref_slice %arg4[%add3A_378, %dma_wait3A_379] : memref<320000x128xf32, #tpu.memory_space<hbm>> -> memref<32x128xf32, #tpu.memory_space<hbm>>
    %dma_wait3A_381 = arith.constant 0 : i32
    %dma_wait3A_382 = tpu.memref_slice %arg4[%add3A_378, %dma_wait3A_381] : memref<320000x128xf32, #tpu.memory_space<hbm>> -> memref<32x128xf32, #tpu.memory_space<hbm>>
    tpu.wait_dma2 semaphore(%arg30 : memref<!tpu.dma_semaphore, #tpu.memory_space<semaphore_mem>>) src(%arg13 : memref<32x128xf32, #tpu.memory_space<vmem>>) dst(%dma_wait3A_382 : memref<32x128xf32, #tpu.memory_space<hbm>>)
    return
  }
}

</mosaic_0001>

<sc_bundles>
// kernel: kernel.3.cloned.1.call-start
scs
__scs_entry_jumppad:
0x0: {  	(pc) =	sbr.rel $0x88, $3  }
0x1: {  	(tag) =	ssettag $0x0;
	lr =	simm.s32 $0x1  }
0x2: {  	[smem:$0x3F9F] =	sst lr;
	_ =	strace $0xD0000000  }
0x3: {  	_ = 	snop  }
0x4: {  	_ = 	snop  }
0x5: {  	_ = 	snop  }
0x6: {  	_ = 	snop  }
0x7: {  	_ = 	snop  }
__scs_overlays_trampoline_lowered:
0x8: {  	[smem:$0x3FAE] =	sst s0  }
0x9: {  	[smem:$0x3FAF] =	sst s1  }
0xa: {  	[smem:$0x3FB0] =	sst s2  }
0xb: {  	[smem:$0x3FB1] =	sst s3  }
0xc: {  	[smem:$0x3FB2] =	sst s4  }
0xd: {  	[smem:$0x3FB3] =	sst s5  }
0xe: {  	[smem:$0x3FB4] =	sst s6  }
0xf: {  	[smem:$0x3FB5] =	sst s7  }
0x10: {  	[smem:$0x3FB6] =	sst s8  }
0x11: {  	[smem:$0x3FB7] =	sst s9;
	s0 =	simm.s32 @!p0 $0x0  }
0x12: {  	s1 =	sld [smem:$0x3F9D];
	s0 =	simm.s32 @p0 $0x1  }
0x13: {  	[smem:$0x3FB8] =	sst s0;
	s0 =	simm.s32 @!p1 $0x0  }
0x14: {  	s2 =	sld [smem:$0x3F9C];
	s0 =	simm.s32 @p1 $0x1  }
0x15: {  	[smem:$0x3FB9] =	sst s0;
	s0 =	simm.s32 @!p2 $0x0  }
0x16: {  	s3 =	sld [smem:$0x3FDB];
	s0 =	simm.s32 @p2 $0x1  }
0x17: {  	s4 =	simm.s32 $0x1BF5;
	[smem:$0x3FBB] =	sst s0  }
0x18: {  	s0 =	sld [smem:$0x3F9E];
	_ =	swait.ge [sflag:s4], $0x0  }
0x19: {  	s7 =	sld [smem:$0x3F9F]  }
0x1a: {  	s8 =	sadd.s32 $0xFFFFE003, lr  }
0x1b: {  	s9 =	sadd.s32 $0xFFFFFEF7, lr;
	s5 =	simm.s32 $0xFFFFFFFF;
	p2 =	slt.u32 s8, $0xFFFFF086  }
0x1c: {  	p1 =	slt.u32 s9, $0xF7A;
	s5 =	simm.s32 @!p2 $0x0  }
0x1d: {  	s5 =	simm.s32 @p1 $0x1;
	p0 =	seq.s32 s7, s2  }
0x1e: {  	s7 =	smul.u32 @!p0 $0xF7A, s2;
	p2 =	seq.s32 @!p0 s5, $0x0  }
0x1f: {  	s9 =	smul.u32 $0xF7A, s1;
	s8 =	simm.s32 @!p0 $0x1BF5;
	p2 =	por !p2, p0  }
0x20: {  	[sflag:s8] =	ssyncset.s32 @!p0 $0xFFFFF086;
	s6 =	sadd.s32 @!p0 s3, s7;
	s7 =	simm.s32 @!p0 $0x108  }
0x21: {  	s3 =	sadd.s32 s3, s9;
	s6 =	sadd.s32 @!p0 $0x88, s6;
	s7 =	simm.s32 @p2 $0x1082  }
0x22: {  	[simem:s7], [sflag:s8] =	dma.local @!p0 [hbm:s6], $0xF7A  }
0x23: {  	s9 =	sor.u32 $0xD0000000, s2;
	s6 =	simm.s32 $0x108;
	_ =	swait.ge @!p0 [sflag:s8], $0x0  }
0x24: {  	s3 =	sadd.s32 $0x88, s3;
	s6 =	simm.s32 @!p1 $0x1082;
	[sflag:s4] =	ssyncset.s32 $0xFFFFF086  }
0x25: {  	[simem:s6], [sflag:s4] =	dma.local [hbm:s3], $0xF7A  }
0x26: {  	[smem:$0x3F9F] =	sst s1;
	(tag) =	ssettag s2;
	_ =	strace s9  }
0x27: {  	s1 =	sld [smem:$0x3FAF]  }
0x28: {  	s2 =	sld [smem:$0x3FB0]  }
0x29: {  	s4 =	sld [smem:$0x3FB2]  }
0x2a: {  	p0 =	seq.s32 s5, $0x0;
	s5 =	sld [smem:$0x3FB3]  }
0x2b: {  	s6 =	sld [smem:$0x3FB4]  }
0x2c: {  	s7 =	sld [smem:$0x3FB5]  }
0x2d: {  	s3 =	simm.s32 $0x108;
	s8 =	sld [smem:$0x3FB6]  }
0x2e: {  	s3 =	simm.s32 @!p0 $0x1082;
	s9 =	sld [smem:$0x3FB7]  }
0x2f: {  	lr =	sadd.s32 s0, s3;
	s0 =	sld [smem:$0x3FAE]  }
0x30: {  	s3 =	sld [smem:$0x3FB1]  }
0x31: {  	[smem:$0x3FBA] =	sst s10  }
0x32: {  	s10 =	sld [smem:$0x3FB8];
	_ =	sdelay $0x3  }
0x33: {  	p0 =	seq.s32 s10, $0x1;
	s10 =	sld [smem:$0x3FBA];
	_ =	sdelay $0x3  }
0x34: {  	[smem:$0x3FBA] =	sst s10  }
0x35: {  	s10 =	sld [smem:$0x3FB9];
	_ =	sdelay $0x3  }
0x36: {  	p1 =	seq.s32 s10, $0x1;
	s10 =	sld [smem:$0x3FBA];
	_ =	sdelay $0x3  }
0x37: {  	[smem:$0x3FBA] =	sst s10  }
0x38: {  	s10 =	sld [smem:$0x3FBB]  }
0x39: {  	_ = 	snop;
	(pc) =	sbr.ind lr, $3  }
0x3a: {  	_ = 	snop  }
0x3b: {  	_ = 	snop  }
0x3c: {  	p2 =	seq.s32 s10, $0x1;
	s10 =	sld [smem:$0x3FBA]  }
0x3d: {  	_ =	shalt  }
0x3e: {  	_ =	shalt  }
0x3f: {  	_ =	shalt  }
0x40: {  	_ =	shalt  }
0x41: {  	_ =	shalt  }
0x42: {  	_ =	shalt  }
0x43: {  	_ =	shalt  }
0x44: {  	_ =	shalt  }
0x45: {  	_ =	shalt  }
0x46: {  	_ =	shalt  }
0x47: {  	_ =	shalt  }
0x48: {  	_ =	shalt  }
0x49: {  	_ =	shalt  }
0x4a: {  	_ =	shalt  }
0x4b: {  	_ =	shalt  }
0x4c: {  	_ =	shalt  }
0x4d: {  	_ =	shalt  }
0x4e: {  	_ =	shalt  }
0x4f: {  	_ =	shalt  }
0x50: {  	_ =	shalt  }
0x51: {  	_ =	shalt  }
0x52: {  	_ =	shalt  }
0x53: {  	_ =	shalt  }
0x54: {  	_ =	shalt  }
0x55: {  	_ =	shalt  }
0x56: {  	_ =	shalt  }
0x57: {  	_ =	shalt  }
0x58: {  	_ =	shalt  }
0x59: {  	_ =	shalt  }
0x5a: {  	_ =	shalt  }
0x5b: {  	_ =	shalt  }
0x5c: {  	_ =	shalt  }
0x5d: {  	_ =	shalt  }
0x5e: {  	_ =	shalt  }
0x5f: {  	_ =	shalt  }
0x60: {  	_ =	shalt  }
0x61: {  	_ =	shalt  }
0x62: {  	_ =	shalt  }
0x63: {  	_ =	shalt  }
0x64: {  	_ =	shalt  }
0x65: {  	_ =	shalt  }
0x66: {  	_ =	shalt  }
0x67: {  	_ =	shalt  }
0x68: {  	_ =	shalt  }
0x69: {  	_ =	shalt  }
0x6a: {  	_ =	shalt  }
0x6b: {  	_ =	shalt  }
0x6c: {  	_ =	shalt  }
0x6d: {  	_ =	shalt  }
0x6e: {  	_ =	shalt  }
0x6f: {  	_ =	shalt  }
0x70: {  	_ =	shalt  }
0x71: {  	_ =	shalt  }
0x72: {  	_ =	shalt  }
0x73: {  	_ =	shalt  }
0x74: {  	_ =	shalt  }
0x75: {  	_ =	shalt  }
0x76: {  	_ =	shalt  }
0x77: {  	_ =	shalt  }
0x78: {  	_ =	shalt  }
0x79: {  	_ =	shalt  }
0x7a: {  	_ =	shalt  }
0x7b: {  	_ =	shalt  }
0x7c: {  	_ =	shalt  }
0x7d: {  	_ =	shalt  }
0x7e: {  	_ =	shalt  }
0x7f: {  	_ =	shalt  }
0x80: {  	_ =	shalt  }
0x81: {  	_ =	shalt  }
0x82: {  	_ =	shalt  }
0x83: {  	_ =	shalt  }
0x84: {  	_ =	shalt  }
0x85: {  	_ =	shalt  }
0x86: {  	_ =	shalt  }
0x87: {  	_ =	shalt  }
.Lfunc_end0:
.L_simem_size_0:
called_computation_lowered:
.L_overlay_start_0:
0x88: {  	s2 =	sld [smem:$0x3FD9]  }
0x89: {  	s3 =	sld [smem:$0x3FFE];
	_ =	sdelay $0x1  }
0x8a: {  	s1 =	srdreg.scid  }
0x8b: {  	s0 =	sand.u32 $0x1, s1  }
0x8c: {  	s17 =	sshll.u32 s0, $0xA;
	s2 =	sadd.s32 s3, s2  }
0x8d: {  	s2 =	sadd.s32 s2, s17  }
0x8e: {  	[smem:$0x3FC6] =	sst s2  }
0x8f: {  	_ = 	snop  }
0x90: {  	s2 =	sld [smem:$0x3FC9]  }
0x91: {  	s18 =	sld [smem:$0x3FD0];
	(tm) =	ssettm $0x1  }
0x92: {  	s4 =	sld [smem:$0x3FFB];
	_ =	sdelay $0x3  }
0x93: {  	_ =	strace s4  }
0x94: {  	s4 =	sld [smem:$0x3FFC];
	_ =	sdelay $0x3  }
0x95: {  	_ =	strace s4  }
0x96: {  	s4 =	sld [smem:$0x3FFD];
	_ =	sdelay $0x3  }
0x97: {  	_ =	strace s4  }
0x98: {  	_ =	strace $0x8FFFFFFF  }
0x99: {  	s19 =	sld [smem:$0x3FDB];
	_ =	sdelay $0x1  }
0x9a: {  	s5 =	simm.s32 $_scs_section_size  }
0x9b: {  	s6 =	simm.s32 $_size__tile_overlayer_lowered;
	s7 =	simm.s32 $_tile_overlayer_lowered  }
0x9c: {  	s22 =	simm.s32 $0x1BFF;
	s21 =	sshll.u32 s7, $0x1;
	s4 =	sadd.s32 s5, s19  }
0x9d: {  	s8 =	simm.s32 $0x0;
	s20 =	sshll.u32 s6, $0x1;
	s6 =	sadd.s32 s21, s4  }
0x9e: {  	[timem:s8], [sflag:s22] =	dma.local [hbm:s6], s20  }
0x9f: {  	_ =	swait.ge [sflag:s22], s20  }
0xa0: {  	s5 =	ssub.s32 $0x0, s20;
	[sflag:s22] =	ssyncset.done $0x0  }
0xa1: {  	[sflag:s22] =	ssyncadd.s32 s5;
	_ =	sdelay $0x1  }
0xa2: {  	s23 =	simm.s32 $0x1B8B  }
0xa3: {  	_ =	swait.ge [sflag:s23], $0x1  }
0xa4: {  	[sflag:s23] =	ssyncset.done $0x0  }
0xa5: {  	s25 =	simm.s32 $0x1B8E;
	s24 =	sld [smem:$0x3FFE];
	[sflag:s23] =	ssyncadd.s32 $0xFFFFFFFF  }
0xa6: {  	s26 =	simm.s32 $execute0_lowered;
	[smem:$0x3FD2] =	sst s25  }
0xa7: {  	s6 =	sshll.u32 s26, $0x1;
	_ =	strace $0x80000046;
	[dreg:$0x1] =	wrdreg $0xFFFFFFFF  }
0xa8: {  	s28 =	simm.s32 $_size_execute0_lowered;
	s4 =	sadd.s32 s4, s6;
	[dreg:$0x0] =	wrdreg $0x0  }
0xa9: {  	s6 =	sshll.u32 s28, $0x1;
	[dreg:$0x2] =	wrdreg s4  }
0xaa: {  	[dreg:$0x3] =	wrdreg s6  }
0xab: {  	[dreg:$0x4] =	wrdreg $0xC0  }
0xac: {  	_ =	task [dreg:s8], $0x5FFFF  }
0xad: {  	[dreg:$0x1] =	wrdreg $0xFFFFFFFF  }
0xae: {  	[dreg:$0x0] =	wrdreg $0x60  }
0xaf: {  	[dreg:$0x2] =	wrdreg s24  }
0xb0: {  	[dreg:$0x3] =	wrdreg s2  }
0xb1: {  	[dreg:$0x4] =	wrdreg s18  }
0xb2: {  	[dreg:$0x5] =	wrdreg $0xA7800  }
0xb3: {  	[dreg:$0x6] =	wrdreg $0x9  }
0xb4: {  	_ =	task.clear_ibuf [dreg:s8], $0x7FFFF;
	_ =	strace $0x90000046  }
0xb5: {  	s29 =	simm.s32 $0x9;
	_ =	strace $0x80000048  }
0xb6: {  	_ =	swait.ge [sflag:s29], $0x1  }
0xb7: {  	[sflag:s29] =	ssyncadd.s32 $0xFFFFFFFF  }
0xb8: {  	_ =	strace $0x90000048  }
0xb9: {  	_ =	sfence  }
0xba: {  	s30 =	sld [smem:$0x0];
	_ =	sdelay $0x2  }
0xbb: {  	s31 =	sshll.u32 s1, $0xD;
	s1 =	sshrl.u32 s1, $0x2  }
0xbc: {  	s3 =	sand.u32 $0x4000, s31;
	s1 =	sadd.s32 s1, s30  }
0xbd: {  	s0 =	sor.u32 s3, s0;
	s1 =	sshll.u32 s1, $0x11  }
0xbe: {  	s0 =	sor.u32 s1, s0  }
0xbf: {  	s0 =	sadd.s32 $0x8F2B, s0  }
0xc0: {  	[sflag:s0] =	ssyncadd.remote.s32 $0x1  }
0xc1: {  	_ =	sfence.sel $0xFFFF  }
0xc2: {  	[dreg:$0x0] =	wrdreg $0xFFFFFFFF;
	(pc) =	sbr.abs _section_cstart, $3  }
0xc3: {  	[dreg:$0x1] =	wrdreg $0xFFFFFFFF  }
0xc4: {  	_ =	task.clear_ibuf [dreg:s8], $0x2FFFF;
	_ =	strace $0x9FFFFFFF  }
0xc5: {  	(tm) =	ssettm $0x7FFFFFFF  }
tec
execute0_lowered:
.L_overlay_start_1:
0x0: {  	(tag) =	ssettag $0x1  }
0x1: {  	s0 =	rddreg [dreg:$0x0];
	s1 =	srdreg.scid  }
0x2: {  	s10 =	stileid.u32;
	s2 =	rddreg [dreg:$0x1]  }
0x3: {  	s28 =	rddreg [dreg:$0x2];
	s4 =	simm.s32 $0x0;
	s9 =	smul.u32 $0x2700, s10  }
0x4: {  	s1 =	sand.u32 $0x1, s1;
	s3 =	sshll.u32 s10, $0x1;
	s13 =	smul.u32 $0x4E200, s10  }
0x5: {  	[smem:$0x7FF] =	sst s4;
	s19 =	sshll.u32 s10, $0x6;
	s26 =	smul.u32 $0x138800, s1  }
0x6: {  	s5 =	sor.u32 s1, s3;
	s17 =	ssub.s32 $0x2, s1;
	s1 =	smul.u32 $0x27100, s1  }
0x7: {  	s3 =	rddreg [dreg:$0x3];
	_ =	strace $0x80000047;
	s6 =	smul.u32 $0x2710, s5  }
0x8: {  	s8 =	sshrl.u32 s17, $0x1;
	s18 =	smul.u32 $0x138800, s5;
	s9 =	sadd.s32 s2, s9  }
0x9: {  	s5 =	smul.u32 $0x27100, s5;
	s2 =	sadd.s32 $0x27000, s2;
	[dreg:$0x5] =	wrdreg s9  }
0xa: {  	s9 =	sor.u32 $0x1C11, s19;
	[dreg:$0x7] =	wrdreg s2;
	s6 =	sshrl.u32 s6, $0x3  }
0xb: {  	[dreg:$0x6] =	wrdreg s9;
	s20 =	sshrl.u32 s18, $0x3;
	s21 =	sadd.s32 s28, s5  }
0xc: {  	s0 =	sadd.s32 s6, s0;
	s6 =	ssub.s32 s17, s8;
	s17 =	sadd.s32 s13, s28  }
0xd: {  	[dreg:$0x9] =	wrdreg s21;
	s0 =	sadd.s32 $0x400, s0;
	s1 =	sadd.s32 s1, s17  }
0xe: {  	[dreg:$0x8] =	wrdreg s0;
	s0 =	sadd.s32 s28, s20;
	s1 =	sadd.s32 $0x1200, s1  }
0xf: {  	s2 =	sadd.s32 $0x200, s0;
	[dreg:$0x1c] =	wrdreg s1  }
0x10: {  	s22 =	sadd.s32 $0x400, s0;
	[dreg:$0xa] =	wrdreg s2  }
0x11: {  	s24 =	sadd.s32 $0x600, s0;
	[dreg:$0xb] =	wrdreg s22  }
0x12: {  	s25 =	sadd.s32 $0x800, s0;
	[dreg:$0xc] =	wrdreg s24  }
0x13: {  	s11 =	sadd.s32 $0xA00, s0;
	[dreg:$0xd] =	wrdreg s25  }
0x14: {  	s12 =	sadd.s32 $0xC00, s0;
	[dreg:$0xe] =	wrdreg s11  }
0x15: {  	s29 =	simm.s32 $0x11;
	s14 =	sadd.s32 $0xE00, s0;
	[dreg:$0xf] =	wrdreg s12  }
0x16: {  	s30 =	simm.s32 $0xE;
	s15 =	sadd.s32 $0x26000, s0;
	[dreg:$0x10] =	wrdreg s14  }
0x17: {  	s31 =	simm.s32 $0xF;
	s16 =	sadd.s32 $0x26200, s0;
	[dreg:$0x11] =	wrdreg s15  }
0x18: {  	s7 =	smul.u32 $0x4E000, s10;
	s18 =	sadd.s32 $0x26400, s0;
	[dreg:$0x12] =	wrdreg s16  }
0x19: {  	s23 =	smul.u32 $0x271000, s10;
	s19 =	sadd.s32 $0x26600, s0;
	[dreg:$0x13] =	wrdreg s18  }
0x1a: {  	p0 =	sne.s32 s10, $0xF;
	s20 =	sadd.s32 $0x26800, s0;
	[dreg:$0x14] =	wrdreg s19  }
0x1b: {  	s7 =	sshrl.u32 s7, $0x2;
	s21 =	sadd.s32 $0x26A00, s0;
	[dreg:$0x15] =	wrdreg s20  }
0x1c: {  	s7 =	sadd.s32 s7, s3;
	s2 =	sadd.s32 s26, s23;
	[dreg:$0x16] =	wrdreg s21  }
0x1d: {  	s22 =	sadd.s32 $0x26C00, s0;
	s23 =	sadd.s32 $0x26E00, s0;
	s0 =	sadd.s32 $0x27000, s0  }
0x1e: {  	s24 =	smax.u32 s6, $0x1;
	s26 =	sshrl.u32 s7, $0x3;
	s12 =	simm.s32 $0x2  }
0x1f: {  	s14 =	simm.s32 $0x3;
	s16 =	simm.s32 $0x4;
	[dreg:$0x17] =	wrdreg s22  }
0x20: {  	s18 =	simm.s32 $0x5;
	s19 =	simm.s32 $0x9;
	[dreg:$0x18] =	wrdreg s23  }
0x21: {  	s20 =	simm.s32 $0x6;
	s21 =	simm.s32 $0xA;
	[dreg:$0x19] =	wrdreg s0  }
0x22: {  	s6 =	simm.s32 $0x10;
	[dreg:$0x1a] =	wrdreg s24;
	s25 =	sadd.s32 $0x8000, s2  }
0x23: {  	s0 =	sadd.s32 $0x138000, s3;
	[dreg:$0x1d] =	wrdreg s26;
	s22 =	simm.s32 $0x7  }
0x24: {  	s23 =	simm.s32 $0xB;
	s24 =	simm.s32 $0x8;
	s26 =	simm.s32 $0xD  }
0x25: {  	s2 =	simm.s32 $0x0;
	[dreg:$0x1b] =	wrdreg s25;
	s0 =	sshrl.u32 @!p0 s0, $0x3  }
0x26: {  	s25 =	simm.s32 $0xC;
	[dreg:$0x1e] =	wrdreg s0;
	s0 =	simm.s32 $0x20  }
.LBB2_1:
0x27: {  	[dreg:$0x1f] =	wrdreg s2  }
0x28: {  	s1 =	rddreg [dreg:$0x5]  }
0x29: {  	s2 =	rddreg [dreg:$0x6]  }
0x2a: {  	s5 =	rddreg [dreg:$0x1d]  }
0x2b: {  	[spmem:s5], [sflag:s2] =	dma.local [hbm:s1], $0x2700  }
0x2c: {  	_ =	swait.ge [sflag:s29], $0x2700  }
0x2d: {  	[sflag:s29] =	ssyncset.done $0x0;
	s1 =	rddreg [dreg:$0x7]  }
0x2e: {  	s5 =	rddreg [dreg:$0x1e];
	[sflag:s29] =	ssyncadd.s32 $0xFFFFD900  }
0x2f: {  	[spmem:s5], [sflag:s2] =	dma.local @!p0 [hbm:s1], $0x100  }
0x30: {  	s1 =	simm.s32 @!p0 $0x11  }
0x31: {  	_ =	swait.ge @!p0 [sflag:s1], $0x100  }
0x32: {  	[sflag:s1] =	ssyncset.done @!p0 $0x0  }
0x33: {  	s10 =	rddreg [dreg:$0x8];
	[sflag:s1] =	ssyncadd.s32 @!p0 $0xFFFFFF00  }
0x34: {  	[tilespmem:s4], [sflag:$0x11] =	stream.linear.gather [hbm4b:s10+s4], $0x2710, $0x38;
	[tilespmem:$0x1E000] =	vst v63  }
0x35: {  	_ =	swait.ge [sflag:s29], $0x2710  }
0x36: {  	[sflag:s29] =	ssyncset.done $0x0  }
0x37: {  	[sflag:s29] =	ssyncadd.s32 $0xFFFFD8F0  }
0x38: {  	s7 =	simm.s32 $0x2780;
	[bflag:$0x0] =	sbarrier.arrive $0xFFFF  }
0x39: {  	[tilespmem:s7], [sflag:$0x1] =	stream.indirect.gather [spmem:s3], $0x80, s4, s0, $0xb8;
	[tilespmem:$0x1E000] =	vst v63  }
0x3a: {  	s8 =	simm.s32 $0x3780  }
0x3b: {  	[tilespmem:s8], [sflag:$0x2] =	stream.indirect.gather [spmem:s3], $0x80, s0, s0, $0xb8;
	[tilespmem:$0x1E000] =	vst v63  }
0x3c: {  	s11 =	simm.s32 $0x40;
	s9 =	simm.s32 $0x4780  }
0x3d: {  	[tilespmem:s9], [sflag:$0x3] =	stream.indirect.gather [spmem:s3], $0x80, s11, s0, $0xb8;
	[tilespmem:$0x1E000] =	vst v63  }
0x3e: {  	s13 =	simm.s32 $0x60;
	s2 =	simm.s32 $0x1;
	s11 =	simm.s32 $0x5780  }
0x3f: {  	[tilespmem:s11], [sflag:$0x4] =	stream.indirect.gather [spmem:s3], $0x80, s13, s0, $0xb8;
	[tilespmem:$0x1E000] =	vst v63  }
0x40: {  	_ =	swait.ge [sflag:s2], $0x1000  }
0x41: {  	[sflag:s2] =	ssyncset.done $0x0  }
0x42: {  	s15 =	rddreg [dreg:$0x9];
	[sflag:s2] =	ssyncadd.s32 $0xFFFFF000  }
0x43: {  	[hbm4b:s15+s4] =	stream.linear.scatter [tilespmem:s7], [sflag:$0x9], $0x1000, $0x38;
	[tilespmem:$0x1E000] =	vst v63  }
0x44: {  	s17 =	simm.s32 $0x80;
	s13 =	simm.s32 $0x6780  }
0x45: {  	[tilespmem:s13], [sflag:$0x5] =	stream.indirect.gather [spmem:s3], $0x80, s17, s0, $0xb8;
	[tilespmem:$0x1E000] =	vst v63  }
0x46: {  	_ =	swait.ge [sflag:s12], $0x1000  }
0x47: {  	[sflag:s12] =	ssyncset.done $0x0  }
0x48: {  	s5 =	rddreg [dreg:$0xa];
	[sflag:s12] =	ssyncadd.s32 $0xFFFFF000  }
0x49: {  	[hbm4b:s5+s4] =	stream.linear.scatter [tilespmem:s8], [sflag:$0xA], $0x1000, $0x38;
	[tilespmem:$0x1E000] =	vst v63  }
0x4a: {  	s10 =	simm.s32 $0xA0;
	s15 =	simm.s32 $0x7780  }
0x4b: {  	[tilespmem:s15], [sflag:$0x6] =	stream.indirect.gather [spmem:s3], $0x80, s10, s0, $0xb8;
	[tilespmem:$0x1E000] =	vst v63  }
0x4c: {  	_ =	swait.ge [sflag:s14], $0x1000  }
0x4d: {  	[sflag:s14] =	ssyncset.done $0x0  }
0x4e: {  	s17 =	rddreg [dreg:$0xb];
	[sflag:s14] =	ssyncadd.s32 $0xFFFFF000  }
0x4f: {  	[hbm4b:s17+s4] =	stream.linear.scatter [tilespmem:s9], [sflag:$0xB], $0x1000, $0x38;
	[tilespmem:$0x1E000] =	vst v63  }
0x50: {  	s5 =	simm.s32 $0xC0;
	s17 =	simm.s32 $0x8780  }
0x51: {  	[tilespmem:s17], [sflag:$0x7] =	stream.indirect.gather [spmem:s3], $0x80, s5, s0, $0xb8;
	[tilespmem:$0x1E000] =	vst v63  }
0x52: {  	_ =	swait.ge [sflag:s16], $0x1000  }
0x53: {  	[sflag:s16] =	ssyncset.done $0x0  }
0x54: {  	s10 =	rddreg [dreg:$0xc];
	[sflag:s16] =	ssyncadd.s32 $0xFFFFF000  }
0x55: {  	[hbm4b:s10+s4] =	stream.linear.scatter [tilespmem:s11], [sflag:$0xC], $0x1000, $0x38;
	[tilespmem:$0x1E000] =	vst v63  }
0x56: {  	s5 =	simm.s32 $0xE0;
	s10 =	simm.s32 $0x9780  }
0x57: {  	[tilespmem:s10], [sflag:$0x8] =	stream.indirect.gather [spmem:s3], $0x80, s5, s0, $0xb8;
	[tilespmem:$0x1E000] =	vst v63  }
0x58: {  	_ =	swait.ge [sflag:s18], $0x1000  }
0x59: {  	[sflag:s18] =	ssyncset.done $0x0  }
0x5a: {  	s5 =	rddreg [dreg:$0xd];
	[sflag:s18] =	ssyncadd.s32 $0xFFFFF000  }
0x5b: {  	[hbm4b:s5+s4] =	stream.linear.scatter [tilespmem:s13], [sflag:$0xD], $0x1000, $0x38;
	[tilespmem:$0x1E000] =	vst v63  }
0x5c: {  	_ =	swait.ge [sflag:s19], $0x1000  }
0x5d: {  	[sflag:s19] =	ssyncset.done $0x0  }
0x5e: {  	s5 =	simm.s32 $0x100;
	[sflag:s19] =	ssyncadd.s32 $0xFFFFF000  }
0x5f: {  	[tilespmem:s7], [sflag:$0x1] =	stream.indirect.gather [spmem:s3], $0x80, s5, s0, $0xb8;
	[tilespmem:$0x1E000] =	vst v63  }
0x60: {  	_ =	swait.ge [sflag:s20], $0x1000  }
0x61: {  	[sflag:s20] =	ssyncset.done $0x0  }
0x62: {  	s5 =	rddreg [dreg:$0xe];
	[sflag:s20] =	ssyncadd.s32 $0xFFFFF000  }
0x63: {  	[hbm4b:s5+s4] =	stream.linear.scatter [tilespmem:s15], [sflag:$0xE], $0x1000, $0x38;
	[tilespmem:$0x1E000] =	vst v63  }
0x64: {  	_ =	swait.ge [sflag:s21], $0x1000  }
0x65: {  	[sflag:s21] =	ssyncset.done $0x0  }
0x66: {  	s5 =	simm.s32 $0x120;
	[sflag:s21] =	ssyncadd.s32 $0xFFFFF000  }
0x67: {  	[tilespmem:s8], [sflag:$0x2] =	stream.indirect.gather [spmem:s3], $0x80, s5, s0, $0xb8;
	[tilespmem:$0x1E000] =	vst v63  }
0x68: {  	_ =	swait.ge [sflag:s22], $0x1000  }
0x69: {  	[sflag:s22] =	ssyncset.done $0x0  }
0x6a: {  	s5 =	rddreg [dreg:$0xf];
	[sflag:s22] =	ssyncadd.s32 $0xFFFFF000  }
0x6b: {  	[hbm4b:s5+s4] =	stream.linear.scatter [tilespmem:s17], [sflag:$0xF], $0x1000, $0x38;
	[tilespmem:$0x1E000] =	vst v63  }
0x6c: {  	_ =	swait.ge [sflag:s23], $0x1000  }
0x6d: {  	[sflag:s23] =	ssyncset.done $0x0  }
0x6e: {  	s5 =	simm.s32 $0x140;
	[sflag:s23] =	ssyncadd.s32 $0xFFFFF000  }
0x6f: {  	[tilespmem:s9], [sflag:$0x3] =	stream.indirect.gather [spmem:s3], $0x80, s5, s0, $0xb8;
	[tilespmem:$0x1E000] =	vst v63  }
0x70: {  	_ =	swait.ge [sflag:s24], $0x1000  }
0x71: {  	[sflag:s24] =	ssyncset.done $0x0  }
0x72: {  	s5 =	rddreg [dreg:$0x10];
	[sflag:s24] =	ssyncadd.s32 $0xFFFFF000  }
0x73: {  	[hbm4b:s5+s4] =	stream.linear.scatter [tilespmem:s10], [sflag:$0x10], $0x1000, $0x38;
	[tilespmem:$0x1E000] =	vst v63  }
0x74: {  	_ =	swait.ge [sflag:s25], $0x1000  }
0x75: {  	[sflag:s25] =	ssyncset.done $0x0  }
0x76: {  	s5 =	simm.s32 $0x160;
	[sflag:s25] =	ssyncadd.s32 $0xFFFFF000  }
0x77: {  	[tilespmem:s11], [sflag:$0x4] =	stream.indirect.gather [spmem:s3], $0x80, s5, s0, $0xb8;
	[tilespmem:$0x1E000] =	vst v63  }
0x78: {  	_ =	swait.ge [sflag:s2], $0x1000  }
0x79: {  	s5 =	rddreg [dreg:$0x1b]  }
0x7a: {  	[sflag:s2] =	ssyncset.done $0x0;
	s1 =	sshrl.u32 s5, $0x3  }
0x7b: {  	[sflag:s2] =	ssyncadd.s32 $0xFFFFF000;
	s1 =	sadd.s32 s28, s1  }
0x7c: {  	[hbm4b:s1+s4] =	stream.linear.scatter [tilespmem:s7], [sflag:$0x9], $0x1000, $0x38;
	[tilespmem:$0x1E000] =	vst v63  }
0x7d: {  	_ =	swait.ge [sflag:s26], $0x1000  }
0x7e: {  	[sflag:s26] =	ssyncset.done $0x0  }
0x7f: {  	s2 =	simm.s32 $0x180;
	[sflag:s26] =	ssyncadd.s32 $0xFFFFF000  }
0x80: {  	[tilespmem:s13], [sflag:$0x5] =	stream.indirect.gather [spmem:s3], $0x80, s2, s0, $0xb8;
	[tilespmem:$0x1E000] =	vst v63  }
0x81: {  	_ =	swait.ge [sflag:s12], $0x1000  }
0x82: {  	[sflag:s12] =	ssyncset.done $0x0  }
0x83: {  	s2 =	rddreg [dreg:$0x1c];
	[sflag:s12] =	ssyncadd.s32 $0xFFFFF000  }
0x84: {  	[hbm4b:s2+s4] =	stream.linear.scatter [tilespmem:s8], [sflag:$0xA], $0x1000, $0x38;
	[tilespmem:$0x1E000] =	vst v63  }
0x85: {  	_ =	swait.ge [sflag:s30], $0x1000  }
0x86: {  	[sflag:s30] =	ssyncset.done $0x0  }
0x87: {  	s1 =	simm.s32 $0x1A0;
	[sflag:s30] =	ssyncadd.s32 $0xFFFFF000  }
0x88: {  	[tilespmem:s15], [sflag:$0x6] =	stream.indirect.gather [spmem:s3], $0x80, s1, s0, $0xb8;
	[tilespmem:$0x1E000] =	vst v63  }
0x89: {  	_ =	swait.ge [sflag:s14], $0x1000  }
0x8a: {  	[sflag:s14] =	ssyncset.done $0x0  }
0x8b: {  	s1 =	sadd.s32 $0x200, s2;
	[sflag:s14] =	ssyncadd.s32 $0xFFFFF000  }
0x8c: {  	[hbm4b:s1+s4] =	stream.linear.scatter [tilespmem:s9], [sflag:$0xB], $0x1000, $0x38;
	[tilespmem:$0x1E000] =	vst v63  }
0x8d: {  	_ =	swait.ge [sflag:s31], $0x1000  }
0x8e: {  	[sflag:s31] =	ssyncset.done $0x0  }
0x8f: {  	s1 =	simm.s32 $0x1C0;
	[sflag:s31] =	ssyncadd.s32 $0xFFFFF000  }
0x90: {  	[tilespmem:s17], [sflag:$0x7] =	stream.indirect.gather [spmem:s3], $0x80, s1, s0, $0xb8;
	[tilespmem:$0x1E000] =	vst v63  }
0x91: {  	_ =	swait.ge [sflag:s16], $0x1000  }
0x92: {  	[sflag:s16] =	ssyncset.done $0x0  }
0x93: {  	s1 =	sadd.s32 $0x400, s2;
	[sflag:s16] =	ssyncadd.s32 $0xFFFFF000  }
0x94: {  	[hbm4b:s1+s4] =	stream.linear.scatter [tilespmem:s11], [sflag:$0xC], $0x1000, $0x38;
	[tilespmem:$0x1E000] =	vst v63  }
0x95: {  	_ =	swait.ge [sflag:s6], $0x1000  }
0x96: {  	[sflag:s6] =	ssyncset.done $0x0  }
0x97: {  	s11 =	simm.s32 $0x1E0;
	[sflag:s6] =	ssyncadd.s32 $0xFFFFF000  }
0x98: {  	[tilespmem:s10], [sflag:$0x8] =	stream.indirect.gather [spmem:s3], $0x80, s11, s0, $0xb8;
	[tilespmem:$0x1E000] =	vst v63  }
0x99: {  	_ =	swait.ge [sflag:s18], $0x1000  }
0x9a: {  	[sflag:s18] =	ssyncset.done $0x0  }
0x9b: {  	s11 =	sadd.s32 $0x600, s2;
	[sflag:s18] =	ssyncadd.s32 $0xFFFFF000  }
0x9c: {  	[hbm4b:s11+s4] =	stream.linear.scatter [tilespmem:s13], [sflag:$0xD], $0x1000, $0x38;
	[tilespmem:$0x1E000] =	vst v63  }
0x9d: {  	_ =	swait.ge [sflag:s19], $0x1000  }
0x9e: {  	[sflag:s19] =	ssyncset.done $0x0  }
0x9f: {  	s13 =	simm.s32 $0x200;
	[sflag:s19] =	ssyncadd.s32 $0xFFFFF000  }
0xa0: {  	[tilespmem:s7], [sflag:$0x1] =	stream.indirect.gather [spmem:s3], $0x80, s13, s0, $0xb8;
	[tilespmem:$0x1E000] =	vst v63  }
0xa1: {  	_ =	swait.ge [sflag:s20], $0x1000  }
0xa2: {  	[sflag:s20] =	ssyncset.done $0x0  }
0xa3: {  	s7 =	sadd.s32 $0x800, s2;
	[sflag:s20] =	ssyncadd.s32 $0xFFFFF000  }
0xa4: {  	[hbm4b:s7+s4] =	stream.linear.scatter [tilespmem:s15], [sflag:$0xE], $0x1000, $0x38;
	[tilespmem:$0x1E000] =	vst v63  }
0xa5: {  	_ =	swait.ge [sflag:s21], $0x1000  }
0xa6: {  	[sflag:s21] =	ssyncset.done $0x0  }
0xa7: {  	s11 =	simm.s32 $0x220;
	[sflag:s21] =	ssyncadd.s32 $0xFFFFF000  }
0xa8: {  	[tilespmem:s8], [sflag:$0x2] =	stream.indirect.gather [spmem:s3], $0x80, s11, s0, $0xb8;
	[tilespmem:$0x1E000] =	vst v63  }
0xa9: {  	_ =	swait.ge [sflag:s22], $0x1000  }
0xaa: {  	[sflag:s22] =	ssyncset.done $0x0  }
0xab: {  	s13 =	sadd.s32 $0xA00, s2;
	[sflag:s22] =	ssyncadd.s32 $0xFFFFF000  }
0xac: {  	[hbm4b:s13+s4] =	stream.linear.scatter [tilespmem:s17], [sflag:$0xF], $0x1000, $0x38;
	[tilespmem:$0x1E000] =	vst v63  }
0xad: {  	_ =	swait.ge [sflag:s23], $0x1000  }
0xae: {  	[sflag:s23] =	ssyncset.done $0x0  }
0xaf: {  	s15 =	simm.s32 $0x240;
	[sflag:s23] =	ssyncadd.s32 $0xFFFFF000  }
0xb0: {  	[tilespmem:s9], [sflag:$0x3] =	stream.indirect.gather [spmem:s3], $0x80, s15, s0, $0xb8;
	[tilespmem:$0x1E000] =	vst v63  }
0xb1: {  	_ =	swait.ge [sflag:s24], $0x1000  }
0xb2: {  	[sflag:s24] =	ssyncset.done $0x0  }
0xb3: {  	s17 =	sadd.s32 $0xC00, s2;
	[sflag:s24] =	ssyncadd.s32 $0xFFFFF000  }
0xb4: {  	[hbm4b:s17+s4] =	stream.linear.scatter [tilespmem:s10], [sflag:$0x10], $0x1000, $0x38;
	[tilespmem:$0x1E000] =	vst v63  }
0xb5: {  	s29 =	sadd.s32 $0x8000, s5;
	_ =	swait.ge [sflag:s25], $0x1000  }
0xb6: {  	s1 =	simm.s32 $0x400;
	s7 =	smov.u32 s28;
	[sflag:s25] =	ssyncset.done $0x0  }
0xb7: {  	s28 =	sadd.s32 $0x1000, s2;
	s2 =	simm.s32 $0x260;
	[sflag:s25] =	ssyncadd.s32 $0xFFFFF000  }
.LBB2_2:
0xb8: {  	s13 =	simm.s32 $0x5780  }
0xb9: {  	[tilespmem:s13], [sflag:$0x4] =	stream.indirect.gather [spmem:s3], $0x80, s2, s0, $0xb8;
	[tilespmem:$0x1E000] =	vst v63  }
0xba: {  	s8 =	simm.s32 $0x1;
	s2 =	smov.u32 s1  }
0xbb: {  	p1 =	sne.s32 s1, $0x9000;
	s1 =	sadd.s32 $0x400, s1;
	_ =	swait.ge [sflag:s8], $0x1000  }
0xbc: {  	s5 =	sshrl.u32 s29, $0x3;
	[sflag:s8] =	ssyncset.done $0x0  }
0xbd: {  	s5 =	sadd.s32 s7, s5;
	[sflag:s8] =	ssyncadd.s32 $0xFFFFF000;
	s8 =	simm.s32 $0x2780  }
0xbe: {  	[hbm4b:s5+s4] =	stream.linear.scatter [tilespmem:s8], [sflag:$0x9], $0x1000, $0x38;
	[tilespmem:$0x1E000] =	vst v63  }
0xbf: {  	_ =	swait.ge [sflag:s26], $0x1000  }
0xc0: {  	s2 =	sshra.s32 s2, $0x2;
	[sflag:s26] =	ssyncset.done $0x0  }
0xc1: {  	s15 =	simm.s32 $0x6780;
	s5 =	sadd.s32 $0x180, s2;
	[sflag:s26] =	ssyncadd.s32 $0xFFFFF000  }
0xc2: {  	[tilespmem:s15], [sflag:$0x5] =	stream.indirect.gather [spmem:s3], $0x80, s5, s0, $0xb8;
	[tilespmem:$0x1E000] =	vst v63  }
0xc3: {  	_ =	swait.ge [sflag:s12], $0x1000  }
0xc4: {  	[sflag:s12] =	ssyncset.done $0x0  }
0xc5: {  	s9 =	simm.s32 $0x3780;
	[sflag:s12] =	ssyncadd.s32 $0xFFFFF000  }
0xc6: {  	[hbm4b:s28+s4] =	stream.linear.scatter [tilespmem:s9], [sflag:$0xA], $0x1000, $0x38;
	[tilespmem:$0x1E000] =	vst v63  }
0xc7: {  	_ =	swait.ge [sflag:s30], $0x1000  }
0xc8: {  	[sflag:s30] =	ssyncset.done $0x0  }
0xc9: {  	s17 =	simm.s32 $0x7780;
	s5 =	sadd.s32 $0x1A0, s2;
	[sflag:s30] =	ssyncadd.s32 $0xFFFFF000  }
0xca: {  	[tilespmem:s17], [sflag:$0x6] =	stream.indirect.gather [spmem:s3], $0x80, s5, s0, $0xb8;
	[tilespmem:$0x1E000] =	vst v63  }
0xcb: {  	_ =	swait.ge [sflag:s14], $0x1000  }
0xcc: {  	[sflag:s14] =	ssyncset.done $0x0  }
0xcd: {  	s11 =	simm.s32 $0x4780;
	s5 =	sadd.s32 $0x200, s28;
	[sflag:s14] =	ssyncadd.s32 $0xFFFFF000  }
0xce: {  	[hbm4b:s5+s4] =	stream.linear.scatter [tilespmem:s11], [sflag:$0xB], $0x1000, $0x38;
	[tilespmem:$0x1E000] =	vst v63  }
0xcf: {  	_ =	swait.ge [sflag:s31], $0x1000  }
0xd0: {  	[sflag:s31] =	ssyncset.done $0x0  }
0xd1: {  	s10 =	simm.s32 $0x8780;
	s5 =	sadd.s32 $0x1C0, s2;
	[sflag:s31] =	ssyncadd.s32 $0xFFFFF000  }
0xd2: {  	[tilespmem:s10], [sflag:$0x7] =	stream.indirect.gather [spmem:s3], $0x80, s5, s0, $0xb8;
	[tilespmem:$0x1E000] =	vst v63  }
0xd3: {  	_ =	swait.ge [sflag:s16], $0x1000  }
0xd4: {  	[sflag:s16] =	ssyncset.done $0x0  }
0xd5: {  	s5 =	sadd.s32 $0x400, s28;
	[sflag:s16] =	ssyncadd.s32 $0xFFFFF000  }
0xd6: {  	[hbm4b:s5+s4] =	stream.linear.scatter [tilespmem:s13], [sflag:$0xC], $0x1000, $0x38;
	[tilespmem:$0x1E000] =	vst v63  }
0xd7: {  	_ =	swait.ge [sflag:s6], $0x1000  }
0xd8: {  	[sflag:s6] =	ssyncset.done $0x0  }
0xd9: {  	s5 =	sadd.s32 $0x1E0, s2;
	s13 =	simm.s32 $0x9780;
	[sflag:s6] =	ssyncadd.s32 $0xFFFFF000  }
0xda: {  	[tilespmem:s13], [sflag:$0x8] =	stream.indirect.gather [spmem:s3], $0x80, s5, s0, $0xb8;
	[tilespmem:$0x1E000] =	vst v63  }
0xdb: {  	_ =	swait.ge [sflag:s18], $0x1000  }
0xdc: {  	[sflag:s18] =	ssyncset.done $0x0  }
0xdd: {  	s5 =	sadd.s32 $0x600, s28;
	[sflag:s18] =	ssyncadd.s32 $0xFFFFF000  }
0xde: {  	[hbm4b:s5+s4] =	stream.linear.scatter [tilespmem:s15], [sflag:$0xD], $0x1000, $0x38;
	[tilespmem:$0x1E000] =	vst v63  }
0xdf: {  	_ =	swait.ge [sflag:s19], $0x1000  }
0xe0: {  	[sflag:s19] =	ssyncset.done $0x0  }
0xe1: {  	s5 =	sadd.s32 $0x200, s2;
	[sflag:s19] =	ssyncadd.s32 $0xFFFFF000  }
0xe2: {  	[tilespmem:s8], [sflag:$0x1] =	stream.indirect.gather [spmem:s3], $0x80, s5, s0, $0xb8;
	[tilespmem:$0x1E000] =	vst v63  }
0xe3: {  	_ =	swait.ge [sflag:s20], $0x1000  }
0xe4: {  	[sflag:s20] =	ssyncset.done $0x0  }
0xe5: {  	s5 =	sadd.s32 $0x800, s28;
	[sflag:s20] =	ssyncadd.s32 $0xFFFFF000  }
0xe6: {  	[hbm4b:s5+s4] =	stream.linear.scatter [tilespmem:s17], [sflag:$0xE], $0x1000, $0x38;
	[tilespmem:$0x1E000] =	vst v63  }
0xe7: {  	_ =	swait.ge [sflag:s21], $0x1000  }
0xe8: {  	[sflag:s21] =	ssyncset.done $0x0  }
0xe9: {  	s8 =	simm.s32 $0x3780;
	s5 =	sadd.s32 $0x220, s2;
	[sflag:s21] =	ssyncadd.s32 $0xFFFFF000  }
0xea: {  	[tilespmem:s9], [sflag:$0x2] =	stream.indirect.gather [spmem:s3], $0x80, s5, s0, $0xb8;
	[tilespmem:$0x1E000] =	vst v63  }
0xeb: {  	_ =	swait.ge [sflag:s22], $0x1000  }
0xec: {  	[sflag:s22] =	ssyncset.done $0x0  }
0xed: {  	s5 =	sadd.s32 $0xA00, s28;
	[sflag:s22] =	ssyncadd.s32 $0xFFFFF000  }
0xee: {  	[hbm4b:s5+s4] =	stream.linear.scatter [tilespmem:s10], [sflag:$0xF], $0x1000, $0x38;
	[tilespmem:$0x1E000] =	vst v63  }
0xef: {  	_ =	swait.ge [sflag:s23], $0x1000  }
0xf0: {  	[sflag:s23] =	ssyncset.done $0x0  }
0xf1: {  	s9 =	simm.s32 $0x4780;
	s5 =	sadd.s32 $0x240, s2;
	[sflag:s23] =	ssyncadd.s32 $0xFFFFF000  }
0xf2: {  	[tilespmem:s11], [sflag:$0x3] =	stream.indirect.gather [spmem:s3], $0x80, s5, s0, $0xb8;
	[tilespmem:$0x1E000] =	vst v63  }
0xf3: {  	_ =	swait.ge [sflag:s24], $0x1000  }
0xf4: {  	[sflag:s24] =	ssyncset.done $0x0  }
.Ltmp0:
0xf5: {  	s5 =	sadd.s32 $0xC00, s28;
	[sflag:s24] =	ssyncadd.s32 $0xFFFFF000;
	(pc) =	sbr.rel @p1 .LBB2_2-.Ltmp0, $4  }
0xf6: {  	[hbm4b:s5+s4] =	stream.linear.scatter [tilespmem:s13], [sflag:$0x10], $0x1000, $0x38;
	[tilespmem:$0x1E000] =	vst v63  }
0xf7: {  	_ =	swait.ge [sflag:s25], $0x1000  }
0xf8: {  	s28 =	sadd.s32 $0x1000, s28;
	[sflag:s25] =	ssyncset.done $0x0  }
0xf9: {  	s29 =	sadd.s32 $0x8000, s29;
	s2 =	sadd.s32 $0x260, s2;
	[sflag:s25] =	ssyncadd.s32 $0xFFFFF000  }
0xfa: {  	s5 =	simm.s32 $0x5780;
	s10 =	simm.s32 $0x1  }
0xfb: {  	[tilespmem:s5], [sflag:$0x4] =	stream.indirect.gather [spmem:s3], $0x80, s2, s0, $0xb8;
	[tilespmem:$0x1E000] =	vst v63  }
0xfc: {  	_ =	swait.ge [sflag:s10], $0x1000  }
0xfd: {  	[sflag:s10] =	ssyncset.done $0x0  }
0xfe: {  	s2 =	simm.s32 $0x2780;
	s1 =	rddreg [dreg:$0x11];
	[sflag:s10] =	ssyncadd.s32 $0xFFFFF000  }
0xff: {  	[hbm4b:s1+s4] =	stream.linear.scatter [tilespmem:s2], [sflag:$0x9], $0x1000, $0x38;
	[tilespmem:$0x1E000] =	vst v63  }
0x100: {  	_ =	swait.ge [sflag:s26], $0x1000  }
0x101: {  	[sflag:s26] =	ssyncset.done $0x0  }
0x102: {  	s11 =	simm.s32 $0x6780;
	s13 =	simm.s32 $0x2680;
	[sflag:s26] =	ssyncadd.s32 $0xFFFFF000  }
0x103: {  	[tilespmem:s11], [sflag:$0x5] =	stream.indirect.gather [spmem:s3], $0x80, s13, s0, $0xb8;
	[tilespmem:$0x1E000] =	vst v63  }
0x104: {  	_ =	swait.ge [sflag:s12], $0x1000  }
0x105: {  	[sflag:s12] =	ssyncset.done $0x0  }
0x106: {  	s15 =	rddreg [dreg:$0x12];
	[sflag:s12] =	ssyncadd.s32 $0xFFFFF000  }
0x107: {  	[hbm4b:s15+s4] =	stream.linear.scatter [tilespmem:s8], [sflag:$0xA], $0x1000, $0x38;
	[tilespmem:$0x1E000] =	vst v63  }
0x108: {  	_ =	swait.ge [sflag:s30], $0x1000  }
0x109: {  	[sflag:s30] =	ssyncset.done $0x0  }
0x10a: {  	s17 =	simm.s32 $0x26A0;
	s8 =	simm.s32 $0x7780;
	[sflag:s30] =	ssyncadd.s32 $0xFFFFF000  }
0x10b: {  	[tilespmem:s8], [sflag:$0x6] =	stream.indirect.gather [spmem:s3], $0x80, s17, s0, $0xb8;
	[tilespmem:$0x1E000] =	vst v63  }
0x10c: {  	_ =	swait.ge [sflag:s14], $0x1000  }
0x10d: {  	[sflag:s14] =	ssyncset.done $0x0  }
0x10e: {  	s13 =	rddreg [dreg:$0x13];
	[sflag:s14] =	ssyncadd.s32 $0xFFFFF000  }
0x10f: {  	[hbm4b:s13+s4] =	stream.linear.scatter [tilespmem:s9], [sflag:$0xB], $0x1000, $0x38;
	[tilespmem:$0x1E000] =	vst v63  }
0x110: {  	_ =	swait.ge [sflag:s31], $0x1000  }
0x111: {  	[sflag:s31] =	ssyncset.done $0x0  }
0x112: {  	s15 =	simm.s32 $0x26C0;
	s9 =	simm.s32 $0x8780;
	[sflag:s31] =	ssyncadd.s32 $0xFFFFF000  }
0x113: {  	[tilespmem:s9], [sflag:$0x7] =	stream.indirect.gather [spmem:s3], $0x80, s15, s0, $0xb8;
	[tilespmem:$0x1E000] =	vst v63  }
0x114: {  	_ =	swait.ge [sflag:s16], $0x1000  }
0x115: {  	[sflag:s16] =	ssyncset.done $0x0  }
0x116: {  	s17 =	rddreg [dreg:$0x14];
	[sflag:s16] =	ssyncadd.s32 $0xFFFFF000  }
0x117: {  	[hbm4b:s17+s4] =	stream.linear.scatter [tilespmem:s5], [sflag:$0xC], $0x1000, $0x38;
	[tilespmem:$0x1E000] =	vst v63  }
0x118: {  	_ =	swait.ge [sflag:s6], $0x1000  }
0x119: {  	[sflag:s6] =	ssyncset.done $0x0  }
0x11a: {  	s13 =	simm.s32 $0x26E0;
	s5 =	simm.s32 $0x9780;
	[sflag:s6] =	ssyncadd.s32 $0xFFFFF000  }
0x11b: {  	[tilespmem:s5], [sflag:$0x8] =	stream.indirect.gather [spmem:s3], $0x80, s13, s0, $0xb8;
	[tilespmem:$0x1E000] =	vst v63  }
0x11c: {  	_ =	swait.ge [sflag:s18], $0x1000  }
0x11d: {  	[sflag:s18] =	ssyncset.done $0x0  }
0x11e: {  	s15 =	rddreg [dreg:$0x15];
	[sflag:s18] =	ssyncadd.s32 $0xFFFFF000  }
0x11f: {  	[hbm4b:s15+s4] =	stream.linear.scatter [tilespmem:s11], [sflag:$0xD], $0x1000, $0x38;
	[tilespmem:$0x1E000] =	vst v63  }
0x120: {  	_ =	swait.ge [sflag:s20], $0x1000  }
0x121: {  	[sflag:s20] =	ssyncset.done $0x0  }
0x122: {  	s17 =	rddreg [dreg:$0x16];
	[sflag:s20] =	ssyncadd.s32 $0xFFFFF000  }
0x123: {  	[hbm4b:s17+s4] =	stream.linear.scatter [tilespmem:s8], [sflag:$0xE], $0x1000, $0x38;
	[tilespmem:$0x1E000] =	vst v63  }
0x124: {  	_ =	swait.ge [sflag:s22], $0x1000  }
0x125: {  	[sflag:s22] =	ssyncset.done $0x0  }
0x126: {  	s8 =	rddreg [dreg:$0x17];
	[sflag:s22] =	ssyncadd.s32 $0xFFFFF000  }
0x127: {  	[hbm4b:s8+s4] =	stream.linear.scatter [tilespmem:s9], [sflag:$0xF], $0x1000, $0x38;
	[tilespmem:$0x1E000] =	vst v63  }
0x128: {  	_ =	swait.ge [sflag:s24], $0x1000  }
0x129: {  	[sflag:s24] =	ssyncset.done $0x0  }
0x12a: {  	s9 =	rddreg [dreg:$0x18];
	[sflag:s24] =	ssyncadd.s32 $0xFFFFF000  }
0x12b: {  	[hbm4b:s9+s4] =	stream.linear.scatter [tilespmem:s5], [sflag:$0x10], $0x1000, $0x38;
	[tilespmem:$0x1E000] =	vst v63  }
0x12c: {  	_ =	swait.ge [sflag:s19], $0x1000  }
0x12d: {  	[sflag:s19] =	ssyncset.done $0x0  }
0x12e: {  	s11 =	simm.s32 $0x2700;
	[sflag:s19] =	ssyncadd.s32 $0xFFFFF000  }
0x12f: {  	[tilespmem:s2], [sflag:$0x1] =	stream.indirect.gather [spmem:s3], $0x80, s11, s6, $0xb8;
	[tilespmem:$0x1E000] =	vst v63  }
0x130: {  	_ =	swait.ge [sflag:s10], $0x800  }
0x131: {  	[sflag:s10] =	ssyncset.done $0x0  }
0x132: {  	s29 =	simm.s32 $0x11;
	s13 =	rddreg [dreg:$0x19];
	[sflag:s10] =	ssyncadd.s32 $0xFFFFF800  }
0x133: {  	[hbm4b:s13+s4] =	stream.linear.scatter [tilespmem:s2], [sflag:$0x11], $0x800, $0x38;
	[tilespmem:$0x1E000] =	vst v63  }
0x134: {  	_ =	swait.ge [sflag:s29], $0x800  }
0x135: {  	[sflag:s29] =	ssyncset.done $0x0  }
0x136: {  	[sflag:s29] =	ssyncadd.s32 $0xFFFFF800  }
0x137: {  	_ =	swait.ge [sflag:s21], $0x1000  }
0x138: {  	[sflag:s21] =	ssyncset.done $0x0  }
0x139: {  	[sflag:s21] =	ssyncadd.s32 $0xFFFFF000  }
0x13a: {  	_ =	swait.ge [sflag:s23], $0x1000  }
0x13b: {  	[sflag:s23] =	ssyncset.done $0x0  }
0x13c: {  	[sflag:s23] =	ssyncadd.s32 $0xFFFFF000  }
0x13d: {  	_ =	swait.ge [sflag:s25], $0x1000  }
0x13e: {  	[sflag:s25] =	ssyncset.done $0x0  }
0x13f: {  	[sflag:s25] =	ssyncadd.s32 $0xFFFFF000  }
0x140: {  	_ =	swait.ge [sflag:s26], $0x1000  }
0x141: {  	[sflag:s26] =	ssyncset.done $0x0  }
0x142: {  	[sflag:s26] =	ssyncadd.s32 $0xFFFFF000  }
0x143: {  	_ =	swait.ge [sflag:s30], $0x1000  }
0x144: {  	[sflag:s30] =	ssyncset.done $0x0  }
0x145: {  	[sflag:s30] =	ssyncadd.s32 $0xFFFFF000  }
0x146: {  	_ =	swait.ge [sflag:s31], $0x1000  }
0x147: {  	[sflag:s31] =	ssyncset.done $0x0  }
0x148: {  	[sflag:s31] =	ssyncadd.s32 $0xFFFFF000  }
0x149: {  	_ =	swait.ge [sflag:s6], $0x1000  }
0x14a: {  	s15 =	rddreg [dreg:$0x1f]  }
0x14b: {  	s17 =	rddreg [dreg:$0x1a];
	s2 =	sadd.s32 $0x1, s15  }
0x14c: {  	p1 =	sne.s32 s2, s17  }
.Ltmp1:
0x14d: {  	_ = 	snop;
	(pc) =	sbr.rel @p1 .LBB2_1-.Ltmp1, $3  }
0x14e: {  	_ =	sdelay $0x1  }
0x14f: {  	[sflag:s6] =	ssyncset.done $0x0  }
0x150: {  	s28 =	smov.u32 s7;
	[sflag:s6] =	ssyncadd.s32 $0xFFFFF000  }
0x151: {  	_ =	sfence.sel $0x180000  }
0x152: {  	[bflag:$0x0] =	sbarrier.arrive $0xFFFF  }
0x153: {  	_ =	strace $0x90000047  }
0x154: {  	s0 =	stileid.u32;
	[bflag:$0x2] =	sbarrier.arrive $0xFFFF  }
0x155: {  	p0 =	sne.s32 s0, $0x0;
	s0 =	rddreg [dreg:$0x4]  }
0x156: {  	s0 =	sadd.s32 @!p0 $0x100000, s0  }
0x157: {  	[sflag:s0] =	ssyncadd.tile.s32 @!p0 $0x1;
	_ =	shalt  }
.Lfunc_end2:
_tile_overlayer_lowered:
.L_overlay_start_2:
0x158: {  	(tag) =	ssettag $0x2  }
0x159: {  	s0 =	rddreg [dreg:$0x0];
	s2 =	stileid.u32  }
0x15a: {  	s1 =	rddreg [dreg:$0x1];
	p0 =	sne.s32 s2, $0x0  }
0x15b: {  	s3 =	rddreg [dreg:$0x2];
	[bflag:$0x3] =	sbarrier.arrive $0xFFFF;
	s2 =	simm.s32 @!p0 $0x1C11  }
0x15c: {  	[timem:s3], [sflag:s2] =	dma.local @!p0 [hbm:s0], s1  }
0x15d: {  	s0 =	simm.s32 @!p0 $0x11  }
0x15e: {  	_ =	swait.ge @!p0 [sflag:s0], s1  }
0x15f: {  	s1 =	ssub.s32 @!p0 $0x0, s1;
	[sflag:s0] =	ssyncset.done @!p0 $0x0  }
0x160: {  	[sflag:s0] =	ssyncadd.s32 @!p0 s1  }
0x161: {  	[bflag:$0x3] =	sbarrier.arrive $0xFFFF  }
0x162: {  	_ =	shalt  }

</sc_bundles>
